<compile_context>
chip_gen: v7x
topology: tpu7x:2x2x1
jax: 0.10.2.dev20260603
libtpu: 0.0.44.dev20260713+nightly
codegen_flags: <defaults>
</compile_context>

<pallas_src>
import functools

import jax
import jax.numpy as jnp
from jax import lax
from jax.experimental import pallas as pl
from jax.experimental.pallas import tpu as pltpu
from jax.experimental.pallas import tpu_sc as plsc

NUM_CLS = 32
D_MODEL = 256
BATCH = 4096
HIST = 50

NC, NS = 2, 16
NW = NC * NS
ROWS = BATCH * HIST
R_PER_W = ROWS // NW
K_REP = 8
CHUNK = 128
NCHUNK = R_PER_W // CHUNK

FB = 4096
NFB = BATCH // FB
NBLK = HIST * NFB


@functools.partial(
    pl.kernel,
    out_type=jax.ShapeDtypeStruct((ROWS, D_MODEL), jnp.float32),
    mesh=plsc.VectorSubcoreMesh(core_axis_name="c", subcore_axis_name="s"),
    scratch_types=[
        pltpu.VMEM((NCHUNK, CHUNK), jnp.int32),
        pltpu.VMEM((CHUNK, D_MODEL), jnp.float32),
        pltpu.VMEM((CHUNK, D_MODEL), jnp.float32),
        pltpu.VMEM((CHUNK, D_MODEL), jnp.float32),
        pltpu.SemaphoreType.DMA,
        pltpu.SemaphoreType.DMA,
        pltpu.SemaphoreType.DMA,
        pltpu.SemaphoreType.DMA,
        pltpu.SemaphoreType.DMA,
        pltpu.SemaphoreType.DMA,
    ],
)
def _embed_sc(table_hbm, idx_hbm, out_hbm, idx_v, buf_0, buf_1, buf_2,
              gs_0, gs_1, gs_2, ws_0, ws_1, ws_2):
    wid = lax.axis_index("s") * NC + lax.axis_index("c")
    base = wid * R_PER_W
    bufs = (buf_0, buf_1, buf_2)
    gsems = (gs_0, gs_1, gs_2)
    wsems = (ws_0, ws_1, ws_2)

    pltpu.sync_copy(idx_hbm.at[wid], idx_v)

    def gather(c, par):
        return pltpu.make_async_copy(
            table_hbm.at[idx_v.at[c]], bufs[par], gsems[par])

    def write(c, par):
        return pltpu.make_async_copy(
            bufs[par], out_hbm.at[pl.ds(base + c * CHUNK, CHUNK)], wsems[par])

    gather(0, 0).start()
    gather(1, 1).start()

    def step(c):
        for par in range(3):
            @pl.when(lax.rem(c, 3) == par)
            def _(par=par):
                @pl.when(c + 2 < NCHUNK)
                def _():
                    @pl.when(c >= 1)
                    def _():
                        write(c - 1, (par + 2) % 3).wait()
                    gather(c + 2, (par + 2) % 3).start()
                gather(c, par).wait()
                write(c, par).start()

    pl.loop(0, NCHUNK)(step)
    write(NCHUNK - 3, (NCHUNK - 3) % 3).wait()
    write(NCHUNK - 2, (NCHUNK - 2) % 3).wait()
    write(NCHUNK - 1, (NCHUNK - 1) % 3).wait()


NLEAD = 2
NBUF = NLEAD + 1


def _finish_body(rows_hbm, out_ref, in_a, in_b, in_c, sem_a, sem_b, sem_c):
    b = pl.program_id(0)
    ins = (in_a, in_b, in_c)
    sems = (sem_a, sem_b, sem_c)

    def load(blk, par):
        return pltpu.make_async_copy(
            rows_hbm.at[pl.ds(blk * FB, FB)], ins[par], sems[par])

    @pl.when(b == 0)
    def _():
        for k in range(NLEAD):
            load(k, k).start()

    @pl.when(b + NLEAD < NBLK)
    def _():
        for par in range(NBUF):
            @pl.when(lax.rem(b + NLEAD, NBUF) == par)
            def _(par=par):
                load(b + NLEAD, par).start()

    for par in range(NBUF):
        @pl.when(lax.rem(b, NBUF) == par)
        def _(par=par):
            load(b, par).wait()
            out_ref[...] = ins[par][...].reshape(1, FB, D_MODEL)


_finish = pl.pallas_call(
    _finish_body,
    grid=(NBLK,),
    in_specs=[pl.BlockSpec(memory_space=pl.ANY)],
    out_specs=pl.BlockSpec((1, FB, D_MODEL), lambda b: (b // NFB, b % NFB, 0)),
    out_shape=jax.ShapeDtypeStruct((HIST, BATCH, D_MODEL), jnp.float32),
    scratch_shapes=[
        pltpu.VMEM((FB, D_MODEL), jnp.float32),
        pltpu.VMEM((FB, D_MODEL), jnp.float32),
        pltpu.VMEM((FB, D_MODEL), jnp.float32),
        pltpu.SemaphoreType.DMA,
        pltpu.SemaphoreType.DMA,
        pltpu.SemaphoreType.DMA,
    ],
)


def kernel(data, table):
    flat = data.T.reshape(-1)
    i = jnp.arange(ROWS, dtype=jnp.int32)
    offs = (i // R_PER_W) * K_REP + (i % K_REP)
    idx = (flat + NUM_CLS * offs).reshape(NW, NCHUNK, CHUNK)
    rep = jnp.tile(table, (NW * K_REP, 1))
    rows = _embed_sc(rep, idx)
    return _finish(rows).transpose(1, 0, 2)

# --- scband reference (transcript-rebuilt; emitter-appended) ---
"""Pipeline reference for scband-temporal-embedding-4715874091551 (READ-ONLY COPY).

The authoritative reference and input builder live on the scoring server;
editing this copy changes nothing except your own understanding.
"""

import jax, jax.numpy as jnp
import numpy as np

NUM_CLS = 32
D_MODEL = 256
BATCH = 4096
HIST = 50


def setup_inputs(seed: int = 0) -> dict:
    key = jax.random.key(seed)
    k1, k2 = jax.random.split(key)
    # index tensor for the 'day' temporal feature (int32 used since jax x64 is off by default)
    data = jax.random.randint(k1, (BATCH, HIST), 0, NUM_CLS, dtype=jnp.int32)
    # learned embedding table: torch.nn.Embedding(num_cls, d_model).weight
    table = jax.random.normal(k2, (NUM_CLS, D_MODEL), dtype=jnp.float32)
    return {"data": data, "table": table}


def reference(data, table):
    # TemporalEmbedding.forward with col='day' -> nn.Embedding lookup
    return jnp.take(table, data, axis=0)

if __name__ == "__main__":
    import jax
    _d = setup_inputs()
    print(jax.jit(kernel)(*tuple(_d.values())))

</pallas_src>

<mosaic_0001>
#map = affine_map<(d0, d1) -> (0, 0)>
#map1 = affine_map<(d0, d1) -> (0, 0, 0)>
module attributes {stable_mosaic.version = 14 : i64} {
  func.func @_embed_sc(%arg0: i32, %arg1: i32, %arg2: memref<8192x256xf32, #tpu.memory_space<hbm>>, %arg3: memref<32x50x128xi32, #tpu.memory_space<hbm>>, %arg4: memref<204800x256xf32, #tpu.memory_space<hbm>>, %arg5: memref<50x128xi32, #tpu.memory_space<vmem>>, %arg6: memref<128x256xf32, #tpu.memory_space<vmem>>, %arg7: memref<128x256xf32, #tpu.memory_space<vmem>>, %arg8: memref<128x256xf32, #tpu.memory_space<vmem>>, %arg9: memref<!tpu.dma_semaphore, #tpu.memory_space<semaphore_mem>>, %arg10: memref<!tpu.dma_semaphore, #tpu.memory_space<semaphore_mem>>, %arg11: memref<!tpu.dma_semaphore, #tpu.memory_space<semaphore_mem>>, %arg12: memref<!tpu.dma_semaphore, #tpu.memory_space<semaphore_mem>>, %arg13: memref<!tpu.dma_semaphore, #tpu.memory_space<semaphore_mem>>, %arg14: memref<!tpu.dma_semaphore, #tpu.memory_space<semaphore_mem>>) attributes {dimension_semantics = [#tpu.dimension_semantics<core_parallel>, #tpu.dimension_semantics<subcore_parallel>], iteration_bounds = array<i64: 2, 16>, scalar_prefetch = 0 : i64, scratch_operands = 10 : i64, tpu.core_type = #tpu.core_type<sc_vector_subcore>, window_params = [{transform_indices = #map}, {transform_indices = #map1}, {transform_indices = #map}]} {
    %mul3A = arith.constant 2 : i32
    %mul3A_0 = arith.muli %arg1, %mul3A : i32
    %add3A = arith.addi %mul3A_0, %arg0 : i32
    %mul3A_1 = arith.constant 6400 : i32
    %mul3A_2 = arith.muli %add3A, %mul3A_1 : i32
    "tpu.region"() ({
      %run_scoped3A = tpu.sem_alloc : memref<!tpu.dma_semaphore, #tpu.memory_space<semaphore_mem>>
      %dma_start3A_37 = arith.constant 0 : i32
      %dma_start3A_38 = arith.constant 0 : i32
      %dma_start3A_39 = tpu.memref_slice %arg3[%add3A, %dma_start3A_37, %dma_start3A_38] : memref<32x50x128xi32, #tpu.memory_space<hbm>> -> memref<1x50x128xi32, #tpu.memory_space<hbm>>
      %dma_start3A_40 = tpu.memref_squeeze %dma_start3A_39 : memref<1x50x128xi32, #tpu.memory_space<hbm>> -> memref<50x128xi32, #tpu.memory_space<hbm>>
      %dma_start3A_41 = arith.constant 0 : i32
      %dma_start3A_42 = arith.constant 0 : i32
      %dma_start3A_43 = tpu.memref_slice %arg3[%add3A, %dma_start3A_41, %dma_start3A_42] : memref<32x50x128xi32, #tpu.memory_space<hbm>> -> memref<1x50x128xi32, #tpu.memory_space<hbm>>
      %dma_start3A_44 = tpu.memref_squeeze %dma_start3A_43 : memref<1x50x128xi32, #tpu.memory_space<hbm>> -> memref<50x128xi32, #tpu.memory_space<hbm>>
      tpu.enqueue_dma source(%dma_start3A_44 : memref<50x128xi32, #tpu.memory_space<hbm>>) target(%arg5 : memref<50x128xi32, #tpu.memory_space<vmem>>) target_semaphore(%run_scoped3A : memref<!tpu.dma_semaphore, #tpu.memory_space<semaphore_mem>>)
      %dma_wait3A_45 = arith.constant 0 : i32
      %dma_wait3A_46 = arith.constant 0 : i32
      %dma_wait3A_47 = tpu.memref_slice %arg3[%add3A, %dma_wait3A_45, %dma_wait3A_46] : memref<32x50x128xi32, #tpu.memory_space<hbm>> -> memref<1x50x128xi32, #tpu.memory_space<hbm>>
      %dma_wait3A_48 = tpu.memref_squeeze %dma_wait3A_47 : memref<1x50x128xi32, #tpu.memory_space<hbm>> -> memref<50x128xi32, #tpu.memory_space<hbm>>
      %dma_wait3A_49 = arith.constant 0 : i32
      %dma_wait3A_50 = arith.constant 0 : i32
      %dma_wait3A_51 = tpu.memref_slice %arg3[%add3A, %dma_wait3A_49, %dma_wait3A_50] : memref<32x50x128xi32, #tpu.memory_space<hbm>> -> memref<1x50x128xi32, #tpu.memory_space<hbm>>
      %dma_wait3A_52 = tpu.memref_squeeze %dma_wait3A_51 : memref<1x50x128xi32, #tpu.memory_space<hbm>> -> memref<50x128xi32, #tpu.memory_space<hbm>>
      tpu.wait_dma2 semaphore(%run_scoped3A : memref<!tpu.dma_semaphore, #tpu.memory_space<semaphore_mem>>) src(%dma_wait3A_52 : memref<50x128xi32, #tpu.memory_space<hbm>>) dst(%arg5 : memref<50x128xi32, #tpu.memory_space<vmem>>)
      tpu.yield
    }) : () -> ()
    %dma_start3A = arith.constant 0 : i32
    %dma_start3A_3 = arith.constant 0 : i32
    %dma_start3A_4 = tpu.memref_slice %arg5[%dma_start3A, %dma_start3A_3] : memref<50x128xi32, #tpu.memory_space<vmem>> -> memref<1x128xi32, #tpu.memory_space<vmem>>
    %dma_start3A_5 = tpu.memref_squeeze %dma_start3A_4 : memref<1x128xi32, #tpu.memory_space<vmem>> -> memref<128xi32, #tpu.memory_space<vmem>>
    %dma_start3A_6 = arith.constant 0 : i32
    %dma_start3A_7 = arith.constant 0 : i32
    %dma_start3A_8 = tpu.memref_slice %arg2[%dma_start3A_6, %dma_start3A_7] : memref<8192x256xf32, #tpu.memory_space<hbm>> -> memref<8192x256xf32, #tpu.memory_space<hbm>>
    tpu.enqueue_indirect_dma source(%dma_start3A_8 : memref<8192x256xf32, #tpu.memory_space<hbm>>) target(%arg6 : memref<128x256xf32, #tpu.memory_space<vmem>>) offsets(%dma_start3A_5 : memref<128xi32, #tpu.memory_space<vmem>>) semaphore(%arg9 : memref<!tpu.dma_semaphore, #tpu.memory_space<semaphore_mem>>)
    %dma_start3A_9 = arith.constant 1 : i32
    %dma_start3A_10 = arith.constant 0 : i32
    %dma_start3A_11 = tpu.memref_slice %arg5[%dma_start3A_9, %dma_start3A_10] : memref<50x128xi32, #tpu.memory_space<vmem>> -> memref<1x128xi32, #tpu.memory_space<vmem>>
    %dma_start3A_12 = tpu.memref_squeeze %dma_start3A_11 : memref<1x128xi32, #tpu.memory_space<vmem>> -> memref<128xi32, #tpu.memory_space<vmem>>
    %dma_start3A_13 = arith.constant 0 : i32
    %dma_start3A_14 = arith.constant 0 : i32
    %dma_start3A_15 = tpu.memref_slice %arg2[%dma_start3A_13, %dma_start3A_14] : memref<8192x256xf32, #tpu.memory_space<hbm>> -> memref<8192x256xf32, #tpu.memory_space<hbm>>
    tpu.enqueue_indirect_dma source(%dma_start3A_15 : memref<8192x256xf32, #tpu.memory_space<hbm>>) target(%arg7 : memref<128x256xf32, #tpu.memory_space<vmem>>) offsets(%dma_start3A_12 : memref<128xi32, #tpu.memory_space<vmem>>) semaphore(%arg10 : memref<!tpu.dma_semaphore, #tpu.memory_space<semaphore_mem>>)
    %scan3A = arith.constant 0 : i32
    %scan3A_16 = arith.constant 50 : i32
    %scan3A_17 = arith.addi %scan3A, %scan3A_16 : i32
    %scan3A_18 = arith.constant 1 : i32
    scf.for %scan3A_37 = %scan3A to %scan3A_17 step %scan3A_18  : i32 {
      %mul3A_38 = arith.constant 1 : i32
      %mul3A_39 = arith.muli %scan3A_37, %mul3A_38 : i32
      %add3A_40 = arith.constant 0 : i32
      %add3A_41 = arith.addi %add3A_40, %mul3A_39 : i32
      %rem3A = arith.constant 3 : i32
      %rem3A_42 = arith.remsi %add3A_41, %rem3A : i32
      %eq3A = arith.constant 0 : i32
      %eq3A_43 = arith.cmpi eq, %rem3A_42, %eq3A : i32
      %convert_element_type3A = arith.extui %eq3A_43 : i1 to i32
      %cond3A = arith.constant 0 : i32
      %cond3A_44 = arith.cmpi ne, %convert_element_type3A, %cond3A : i32
      scf.if %cond3A_44 {
        %add3A_59 = arith.constant 2 : i32
        %add3A_60 = arith.addi %add3A_41, %add3A_59 : i32
        %lt3A = arith.constant 50 : i32
        %lt3A_61 = arith.cmpi slt, %add3A_60, %lt3A : i32
        %convert_element_type3A_62 = arith.extui %lt3A_61 : i1 to i32
        %cond3A_63 = arith.constant 0 : i32
        %cond3A_64 = arith.cmpi ne, %convert_element_type3A_62, %cond3A_63 : i32
        scf.if %cond3A_64 {
          %ge3A = arith.constant 1 : i32
          %ge3A_78 = arith.cmpi sge, %add3A_41, %ge3A : i32
          %convert_element_type3A_79 = arith.extui %ge3A_78 : i1 to i32
          %cond3A_80 = arith.constant 0 : i32
          %cond3A_81 = arith.cmpi ne, %convert_element_type3A_79, %cond3A_80 : i32
          scf.if %cond3A_81 {
            %sub3A = arith.constant 1 : i32
            %sub3A_90 = arith.subi %add3A_41, %sub3A : i32
            %mul3A_91 = arith.constant 128 : i32
            %mul3A_92 = arith.muli %sub3A_90, %mul3A_91 : i32
            %add3A_93 = arith.addi %mul3A_2, %mul3A_92 : i32
            %dma_wait3A_94 = arith.constant 0 : i32
            %dma_wait3A_95 = tpu.memref_slice %arg4[%add3A_93, %dma_wait3A_94] : memref<204800x256xf32, #tpu.memory_space<hbm>> -> memref<128x256xf32, #tpu.memory_space<hbm>>
            %dma_wait3A_96 = arith.constant 0 : i32
            %dma_wait3A_97 = tpu.memref_slice %arg4[%add3A_93, %dma_wait3A_96] : memref<204800x256xf32, #tpu.memory_space<hbm>> -> memref<128x256xf32, #tpu.memory_space<hbm>>
            tpu.wait_dma2 semaphore(%arg14 : memref<!tpu.dma_semaphore, #tpu.memory_space<semaphore_mem>>) src(%arg8 : memref<128x256xf32, #tpu.memory_space<vmem>>) dst(%dma_wait3A_97 : memref<128x256xf32, #tpu.memory_space<hbm>>)
          } else {
          }
          %add3A_82 = arith.constant 2 : i32
          %add3A_83 = arith.addi %add3A_41, %add3A_82 : i32
          %dma_start3A_84 = arith.constant 0 : i32
          %dma_start3A_85 = tpu.memref_slice %arg5[%add3A_83, %dma_start3A_84] : memref<50x128xi32, #tpu.memory_space<vmem>> -> memref<1x128xi32, #tpu.memory_space<vmem>>
          %dma_start3A_86 = tpu.memref_squeeze %dma_start3A_85 : memref<1x128xi32, #tpu.memory_space<vmem>> -> memref<128xi32, #tpu.memory_space<vmem>>
          %dma_start3A_87 = arith.constant 0 : i32
          %dma_start3A_88 = arith.constant 0 : i32
          %dma_start3A_89 = tpu.memref_slice %arg2[%dma_start3A_87, %dma_start3A_88] : memref<8192x256xf32, #tpu.memory_space<hbm>> -> memref<8192x256xf32, #tpu.memory_space<hbm>>
          tpu.enqueue_indirect_dma source(%dma_start3A_89 : memref<8192x256xf32, #tpu.memory_space<hbm>>) target(%arg8 : memref<128x256xf32, #tpu.memory_space<vmem>>) offsets(%dma_start3A_86 : memref<128xi32, #tpu.memory_space<vmem>>) semaphore(%arg11 : memref<!tpu.dma_semaphore, #tpu.memory_space<semaphore_mem>>)
        } else {
        }
        %dma_wait3A_65 = arith.constant 0 : i32
        %dma_wait3A_66 = tpu.memref_slice %arg5[%add3A_41, %dma_wait3A_65] : memref<50x128xi32, #tpu.memory_space<vmem>> -> memref<1x128xi32, #tpu.memory_space<vmem>>
        %dma_wait3A_67 = tpu.memref_squeeze %dma_wait3A_66 : memref<1x128xi32, #tpu.memory_space<vmem>> -> memref<128xi32, #tpu.memory_space<vmem>>
        %dma_wait3A_68 = arith.constant 0 : i32
        %dma_wait3A_69 = arith.constant 0 : i32
        %dma_wait3A_70 = tpu.memref_slice %arg2[%dma_wait3A_68, %dma_wait3A_69] : memref<8192x256xf32, #tpu.memory_space<hbm>> -> memref<8192x256xf32, #tpu.memory_space<hbm>>
        tpu.wait_indirect_dma semaphore(%arg9 : memref<!tpu.dma_semaphore, #tpu.memory_space<semaphore_mem>>) src(%dma_wait3A_70 : memref<8192x256xf32, #tpu.memory_space<hbm>>) dst(%arg6 : memref<128x256xf32, #tpu.memory_space<vmem>>)
        %mul3A_71 = arith.constant 128 : i32
        %mul3A_72 = arith.muli %add3A_41, %mul3A_71 : i32
        %add3A_73 = arith.addi %mul3A_2, %mul3A_72 : i32
        %dma_start3A_74 = arith.constant 0 : i32
        %dma_start3A_75 = tpu.memref_slice %arg4[%add3A_73, %dma_start3A_74] : memref<204800x256xf32, #tpu.memory_space<hbm>> -> memref<128x256xf32, #tpu.memory_space<hbm>>
        %dma_start3A_76 = arith.constant 0 : i32
        %dma_start3A_77 = tpu.memref_slice %arg4[%add3A_73, %dma_start3A_76] : memref<204800x256xf32, #tpu.memory_space<hbm>> -> memref<128x256xf32, #tpu.memory_space<hbm>>
        tpu.enqueue_dma source(%arg6 : memref<128x256xf32, #tpu.memory_space<vmem>>) target(%dma_start3A_77 : memref<128x256xf32, #tpu.memory_space<hbm>>) target_semaphore(%arg12 : memref<!tpu.dma_semaphore, #tpu.memory_space<semaphore_mem>>)
      } else {
      }
      %rem3A_45 = arith.constant 3 : i32
      %rem3A_46 = arith.remsi %add3A_41, %rem3A_45 : i32
      %eq3A_47 = arith.constant 1 : i32
      %eq3A_48 = arith.cmpi eq, %rem3A_46, %eq3A_47 : i32
      %convert_element_type3A_49 = arith.extui %eq3A_48 : i1 to i32
      %cond3A_50 = arith.constant 0 : i32
      %cond3A_51 = arith.cmpi ne, %convert_element_type3A_49, %cond3A_50 : i32
      scf.if %cond3A_51 {
        %add3A_59 = arith.constant 2 : i32
        %add3A_60 = arith.addi %add3A_41, %add3A_59 : i32
        %lt3A = arith.constant 50 : i32
        %lt3A_61 = arith.cmpi slt, %add3A_60, %lt3A : i32
        %convert_element_type3A_62 = arith.extui %lt3A_61 : i1 to i32
        %cond3A_63 = arith.constant 0 : i32
        %cond3A_64 = arith.cmpi ne, %convert_element_type3A_62, %cond3A_63 : i32
        scf.if %cond3A_64 {
          %ge3A = arith.constant 1 : i32
          %ge3A_78 = arith.cmpi sge, %add3A_41, %ge3A : i32
          %convert_element_type3A_79 = arith.extui %ge3A_78 : i1 to i32
          %cond3A_80 = arith.constant 0 : i32
          %cond3A_81 = arith.cmpi ne, %convert_element_type3A_79, %cond3A_80 : i32
          scf.if %cond3A_81 {
            %sub3A = arith.constant 1 : i32
            %sub3A_90 = arith.subi %add3A_41, %sub3A : i32
            %mul3A_91 = arith.constant 128 : i32
            %mul3A_92 = arith.muli %sub3A_90, %mul3A_91 : i32
            %add3A_93 = arith.addi %mul3A_2, %mul3A_92 : i32
            %dma_wait3A_94 = arith.constant 0 : i32
            %dma_wait3A_95 = tpu.memref_slice %arg4[%add3A_93, %dma_wait3A_94] : memref<204800x256xf32, #tpu.memory_space<hbm>> -> memref<128x256xf32, #tpu.memory_space<hbm>>
            %dma_wait3A_96 = arith.constant 0 : i32
            %dma_wait3A_97 = tpu.memref_slice %arg4[%add3A_93, %dma_wait3A_96] : memref<204800x256xf32, #tpu.memory_space<hbm>> -> memref<128x256xf32, #tpu.memory_space<hbm>>
            tpu.wait_dma2 semaphore(%arg12 : memref<!tpu.dma_semaphore, #tpu.memory_space<semaphore_mem>>) src(%arg6 : memref<128x256xf32, #tpu.memory_space<vmem>>) dst(%dma_wait3A_97 : memref<128x256xf32, #tpu.memory_space<hbm>>)
          } else {
          }
          %add3A_82 = arith.constant 2 : i32
          %add3A_83 = arith.addi %add3A_41, %add3A_82 : i32
          %dma_start3A_84 = arith.constant 0 : i32
          %dma_start3A_85 = tpu.memref_slice %arg5[%add3A_83, %dma_start3A_84] : memref<50x128xi32, #tpu.memory_space<vmem>> -> memref<1x128xi32, #tpu.memory_space<vmem>>
          %dma_start3A_86 = tpu.memref_squeeze %dma_start3A_85 : memref<1x128xi32, #tpu.memory_space<vmem>> -> memref<128xi32, #tpu.memory_space<vmem>>
          %dma_start3A_87 = arith.constant 0 : i32
          %dma_start3A_88 = arith.constant 0 : i32
          %dma_start3A_89 = tpu.memref_slice %arg2[%dma_start3A_87, %dma_start3A_88] : memref<8192x256xf32, #tpu.memory_space<hbm>> -> memref<8192x256xf32, #tpu.memory_space<hbm>>
          tpu.enqueue_indirect_dma source(%dma_start3A_89 : memref<8192x256xf32, #tpu.memory_space<hbm>>) target(%arg6 : memref<128x256xf32, #tpu.memory_space<vmem>>) offsets(%dma_start3A_86 : memref<128xi32, #tpu.memory_space<vmem>>) semaphore(%arg9 : memref<!tpu.dma_semaphore, #tpu.memory_space<semaphore_mem>>)
        } else {
        }
        %dma_wait3A_65 = arith.constant 0 : i32
        %dma_wait3A_66 = tpu.memref_slice %arg5[%add3A_41, %dma_wait3A_65] : memref<50x128xi32, #tpu.memory_space<vmem>> -> memref<1x128xi32, #tpu.memory_space<vmem>>
        %dma_wait3A_67 = tpu.memref_squeeze %dma_wait3A_66 : memref<1x128xi32, #tpu.memory_space<vmem>> -> memref<128xi32, #tpu.memory_space<vmem>>
        %dma_wait3A_68 = arith.constant 0 : i32
        %dma_wait3A_69 = arith.constant 0 : i32
        %dma_wait3A_70 = tpu.memref_slice %arg2[%dma_wait3A_68, %dma_wait3A_69] : memref<8192x256xf32, #tpu.memory_space<hbm>> -> memref<8192x256xf32, #tpu.memory_space<hbm>>
        tpu.wait_indirect_dma semaphore(%arg10 : memref<!tpu.dma_semaphore, #tpu.memory_space<semaphore_mem>>) src(%dma_wait3A_70 : memref<8192x256xf32, #tpu.memory_space<hbm>>) dst(%arg7 : memref<128x256xf32, #tpu.memory_space<vmem>>)
        %mul3A_71 = arith.constant 128 : i32
        %mul3A_72 = arith.muli %add3A_41, %mul3A_71 : i32
        %add3A_73 = arith.addi %mul3A_2, %mul3A_72 : i32
        %dma_start3A_74 = arith.constant 0 : i32
        %dma_start3A_75 = tpu.memref_slice %arg4[%add3A_73, %dma_start3A_74] : memref<204800x256xf32, #tpu.memory_space<hbm>> -> memref<128x256xf32, #tpu.memory_space<hbm>>
        %dma_start3A_76 = arith.constant 0 : i32
        %dma_start3A_77 = tpu.memref_slice %arg4[%add3A_73, %dma_start3A_76] : memref<204800x256xf32, #tpu.memory_space<hbm>> -> memref<128x256xf32, #tpu.memory_space<hbm>>
        tpu.enqueue_dma source(%arg7 : memref<128x256xf32, #tpu.memory_space<vmem>>) target(%dma_start3A_77 : memref<128x256xf32, #tpu.memory_space<hbm>>) target_semaphore(%arg13 : memref<!tpu.dma_semaphore, #tpu.memory_space<semaphore_mem>>)
      } else {
      }
      %rem3A_52 = arith.constant 3 : i32
      %rem3A_53 = arith.remsi %add3A_41, %rem3A_52 : i32
      %eq3A_54 = arith.constant 2 : i32
      %eq3A_55 = arith.cmpi eq, %rem3A_53, %eq3A_54 : i32
      %convert_element_type3A_56 = arith.extui %eq3A_55 : i1 to i32
      %cond3A_57 = arith.constant 0 : i32
      %cond3A_58 = arith.cmpi ne, %convert_element_type3A_56, %cond3A_57 : i32
      scf.if %cond3A_58 {
        %add3A_59 = arith.constant 2 : i32
        %add3A_60 = arith.addi %add3A_41, %add3A_59 : i32
        %lt3A = arith.constant 50 : i32
        %lt3A_61 = arith.cmpi slt, %add3A_60, %lt3A : i32
        %convert_element_type3A_62 = arith.extui %lt3A_61 : i1 to i32
        %cond3A_63 = arith.constant 0 : i32
        %cond3A_64 = arith.cmpi ne, %convert_element_type3A_62, %cond3A_63 : i32
        scf.if %cond3A_64 {
          %ge3A = arith.constant 1 : i32
          %ge3A_78 = arith.cmpi sge, %add3A_41, %ge3A : i32
          %convert_element_type3A_79 = arith.extui %ge3A_78 : i1 to i32
          %cond3A_80 = arith.constant 0 : i32
          %cond3A_81 = arith.cmpi ne, %convert_element_type3A_79, %cond3A_80 : i32
          scf.if %cond3A_81 {
            %sub3A = arith.constant 1 : i32
            %sub3A_90 = arith.subi %add3A_41, %sub3A : i32
            %mul3A_91 = arith.constant 128 : i32
            %mul3A_92 = arith.muli %sub3A_90, %mul3A_91 : i32
            %add3A_93 = arith.addi %mul3A_2, %mul3A_92 : i32
            %dma_wait3A_94 = arith.constant 0 : i32
            %dma_wait3A_95 = tpu.memref_slice %arg4[%add3A_93, %dma_wait3A_94] : memref<204800x256xf32, #tpu.memory_space<hbm>> -> memref<128x256xf32, #tpu.memory_space<hbm>>
            %dma_wait3A_96 = arith.constant 0 : i32
            %dma_wait3A_97 = tpu.memref_slice %arg4[%add3A_93, %dma_wait3A_96] : memref<204800x256xf32, #tpu.memory_space<hbm>> -> memref<128x256xf32, #tpu.memory_space<hbm>>
            tpu.wait_dma2 semaphore(%arg13 : memref<!tpu.dma_semaphore, #tpu.memory_space<semaphore_mem>>) src(%arg7 : memref<128x256xf32, #tpu.memory_space<vmem>>) dst(%dma_wait3A_97 : memref<128x256xf32, #tpu.memory_space<hbm>>)
          } else {
          }
          %add3A_82 = arith.constant 2 : i32
          %add3A_83 = arith.addi %add3A_41, %add3A_82 : i32
          %dma_start3A_84 = arith.constant 0 : i32
          %dma_start3A_85 = tpu.memref_slice %arg5[%add3A_83, %dma_start3A_84] : memref<50x128xi32, #tpu.memory_space<vmem>> -> memref<1x128xi32, #tpu.memory_space<vmem>>
          %dma_start3A_86 = tpu.memref_squeeze %dma_start3A_85 : memref<1x128xi32, #tpu.memory_space<vmem>> -> memref<128xi32, #tpu.memory_space<vmem>>
          %dma_start3A_87 = arith.constant 0 : i32
          %dma_start3A_88 = arith.constant 0 : i32
          %dma_start3A_89 = tpu.memref_slice %arg2[%dma_start3A_87, %dma_start3A_88] : memref<8192x256xf32, #tpu.memory_space<hbm>> -> memref<8192x256xf32, #tpu.memory_space<hbm>>
          tpu.enqueue_indirect_dma source(%dma_start3A_89 : memref<8192x256xf32, #tpu.memory_space<hbm>>) target(%arg7 : memref<128x256xf32, #tpu.memory_space<vmem>>) offsets(%dma_start3A_86 : memref<128xi32, #tpu.memory_space<vmem>>) semaphore(%arg10 : memref<!tpu.dma_semaphore, #tpu.memory_space<semaphore_mem>>)
        } else {
        }
        %dma_wait3A_65 = arith.constant 0 : i32
        %dma_wait3A_66 = tpu.memref_slice %arg5[%add3A_41, %dma_wait3A_65] : memref<50x128xi32, #tpu.memory_space<vmem>> -> memref<1x128xi32, #tpu.memory_space<vmem>>
        %dma_wait3A_67 = tpu.memref_squeeze %dma_wait3A_66 : memref<1x128xi32, #tpu.memory_space<vmem>> -> memref<128xi32, #tpu.memory_space<vmem>>
        %dma_wait3A_68 = arith.constant 0 : i32
        %dma_wait3A_69 = arith.constant 0 : i32
        %dma_wait3A_70 = tpu.memref_slice %arg2[%dma_wait3A_68, %dma_wait3A_69] : memref<8192x256xf32, #tpu.memory_space<hbm>> -> memref<8192x256xf32, #tpu.memory_space<hbm>>
        tpu.wait_indirect_dma semaphore(%arg11 : memref<!tpu.dma_semaphore, #tpu.memory_space<semaphore_mem>>) src(%dma_wait3A_70 : memref<8192x256xf32, #tpu.memory_space<hbm>>) dst(%arg8 : memref<128x256xf32, #tpu.memory_space<vmem>>)
        %mul3A_71 = arith.constant 128 : i32
        %mul3A_72 = arith.muli %add3A_41, %mul3A_71 : i32
        %add3A_73 = arith.addi %mul3A_2, %mul3A_72 : i32
        %dma_start3A_74 = arith.constant 0 : i32
        %dma_start3A_75 = tpu.memref_slice %arg4[%add3A_73, %dma_start3A_74] : memref<204800x256xf32, #tpu.memory_space<hbm>> -> memref<128x256xf32, #tpu.memory_space<hbm>>
        %dma_start3A_76 = arith.constant 0 : i32
        %dma_start3A_77 = tpu.memref_slice %arg4[%add3A_73, %dma_start3A_76] : memref<204800x256xf32, #tpu.memory_space<hbm>> -> memref<128x256xf32, #tpu.memory_space<hbm>>
        tpu.enqueue_dma source(%arg8 : memref<128x256xf32, #tpu.memory_space<vmem>>) target(%dma_start3A_77 : memref<128x256xf32, #tpu.memory_space<hbm>>) target_semaphore(%arg14 : memref<!tpu.dma_semaphore, #tpu.memory_space<semaphore_mem>>)
      } else {
      }
    }
    %scan3A_19 = arith.constant 50 : i32
    %add3A_20 = arith.constant 6016 : i32
    %add3A_21 = arith.addi %mul3A_2, %add3A_20 : i32
    %dma_wait3A = arith.constant 0 : i32
    %dma_wait3A_22 = tpu.memref_slice %arg4[%add3A_21, %dma_wait3A] : memref<204800x256xf32, #tpu.memory_space<hbm>> -> memref<128x256xf32, #tpu.memory_space<hbm>>
    %dma_wait3A_23 = arith.constant 0 : i32
    %dma_wait3A_24 = tpu.memref_slice %arg4[%add3A_21, %dma_wait3A_23] : memref<204800x256xf32, #tpu.memory_space<hbm>> -> memref<128x256xf32, #tpu.memory_space<hbm>>
    tpu.wait_dma2 semaphore(%arg14 : memref<!tpu.dma_semaphore, #tpu.memory_space<semaphore_mem>>) src(%arg8 : memref<128x256xf32, #tpu.memory_space<vmem>>) dst(%dma_wait3A_24 : memref<128x256xf32, #tpu.memory_space<hbm>>)
    %add3A_25 = arith.constant 6144 : i32
    %add3A_26 = arith.addi %mul3A_2, %add3A_25 : i32
    %dma_wait3A_27 = arith.constant 0 : i32
    %dma_wait3A_28 = tpu.memref_slice %arg4[%add3A_26, %dma_wait3A_27] : memref<204800x256xf32, #tpu.memory_space<hbm>> -> memref<128x256xf32, #tpu.memory_space<hbm>>
    %dma_wait3A_29 = arith.constant 0 : i32
    %dma_wait3A_30 = tpu.memref_slice %arg4[%add3A_26, %dma_wait3A_29] : memref<204800x256xf32, #tpu.memory_space<hbm>> -> memref<128x256xf32, #tpu.memory_space<hbm>>
    tpu.wait_dma2 semaphore(%arg12 : memref<!tpu.dma_semaphore, #tpu.memory_space<semaphore_mem>>) src(%arg6 : memref<128x256xf32, #tpu.memory_space<vmem>>) dst(%dma_wait3A_30 : memref<128x256xf32, #tpu.memory_space<hbm>>)
    %add3A_31 = arith.constant 6272 : i32
    %add3A_32 = arith.addi %mul3A_2, %add3A_31 : i32
    %dma_wait3A_33 = arith.constant 0 : i32
    %dma_wait3A_34 = tpu.memref_slice %arg4[%add3A_32, %dma_wait3A_33] : memref<204800x256xf32, #tpu.memory_space<hbm>> -> memref<128x256xf32, #tpu.memory_space<hbm>>
    %dma_wait3A_35 = arith.constant 0 : i32
    %dma_wait3A_36 = tpu.memref_slice %arg4[%add3A_32, %dma_wait3A_35] : memref<204800x256xf32, #tpu.memory_space<hbm>> -> memref<128x256xf32, #tpu.memory_space<hbm>>
    tpu.wait_dma2 semaphore(%arg13 : memref<!tpu.dma_semaphore, #tpu.memory_space<semaphore_mem>>) src(%arg7 : memref<128x256xf32, #tpu.memory_space<vmem>>) dst(%dma_wait3A_36 : memref<128x256xf32, #tpu.memory_space<hbm>>)
    return
  }
}

module attributes {stable_mosaic.version = 14 : i64} {
  func.func @_finish_body(%arg0: i32, %arg1: memref<204800x256xf32, #tpu.memory_space<any>>, %arg2: memref<1x4096x256xf32, #tpu.memory_space<vmem>>, %arg3: memref<4096x256xf32, #tpu.memory_space<vmem>>, %arg4: memref<4096x256xf32, #tpu.memory_space<vmem>>, %arg5: memref<4096x256xf32, #tpu.memory_space<vmem>>, %arg6: memref<!tpu.dma_semaphore, #tpu.memory_space<semaphore_mem>>, %arg7: memref<!tpu.dma_semaphore, #tpu.memory_space<semaphore_mem>>, %arg8: memref<!tpu.dma_semaphore, #tpu.memory_space<semaphore_mem>>) attributes {dimension_semantics = [#tpu.dimension_semantics<arbitrary>], iteration_bounds = array<i64: 50>, scalar_prefetch = 0 : i64, scratch_operands = 6 : i64, tpu.core_type = #tpu.core_type<tc>, window_params = [{}, {transform_indices = @transform_1, window_bounds = array<i64: 1, 4096, 256>}]} {
    %eq3A = arith.constant 0 : i32
    %eq3A_0 = arith.cmpi eq, %arg0, %eq3A : i32
    %convert_element_type3A = arith.extui %eq3A_0 : i1 to i32
    %cond3A = arith.constant 0 : i32
    %cond3A_1 = arith.cmpi ne, %convert_element_type3A, %cond3A : i32
    scf.if %cond3A_1 {
      %dma_start3A = arith.constant 0 : i32
      %dma_start3A_27 = arith.constant 0 : i32
      %dma_start3A_28 = tpu.memref_slice %arg1[%dma_start3A, %dma_start3A_27] : memref<204800x256xf32, #tpu.memory_space<any>> -> memref<4096x256xf32, #tpu.memory_space<any>>
      tpu.enqueue_dma source(%dma_start3A_28 : memref<4096x256xf32, #tpu.memory_space<any>>) target(%arg3 : memref<4096x256xf32, #tpu.memory_space<vmem>>) target_semaphore(%arg6 : memref<!tpu.dma_semaphore, #tpu.memory_space<semaphore_mem>>)
      %dma_start3A_29 = arith.constant 4096 : i32
      %dma_start3A_30 = arith.constant 0 : i32
      %dma_start3A_31 = tpu.memref_slice %arg1[%dma_start3A_29, %dma_start3A_30] : memref<204800x256xf32, #tpu.memory_space<any>> -> memref<4096x256xf32, #tpu.memory_space<any>>
      tpu.enqueue_dma source(%dma_start3A_31 : memref<4096x256xf32, #tpu.memory_space<any>>) target(%arg4 : memref<4096x256xf32, #tpu.memory_space<vmem>>) target_semaphore(%arg7 : memref<!tpu.dma_semaphore, #tpu.memory_space<semaphore_mem>>)
    } else {
    }
    %add3A = arith.constant 2 : i32
    %add3A_2 = arith.addi %arg0, %add3A : i32
    %lt3A = arith.constant 50 : i32
    %lt3A_3 = arith.cmpi slt, %add3A_2, %lt3A : i32
    %convert_element_type3A_4 = arith.extui %lt3A_3 : i1 to i32
    %cond3A_5 = arith.constant 0 : i32
    %cond3A_6 = arith.cmpi ne, %convert_element_type3A_4, %cond3A_5 : i32
    scf.if %cond3A_6 {
      %add3A_27 = arith.constant 2 : i32
      %add3A_28 = arith.addi %arg0, %add3A_27 : i32
      %rem3A_29 = arith.constant 3 : i32
      %rem3A_30 = arith.remsi %add3A_28, %rem3A_29 : i32
      %eq3A_31 = arith.constant 0 : i32
      %eq3A_32 = arith.cmpi eq, %rem3A_30, %eq3A_31 : i32
      %convert_element_type3A_33 = arith.extui %eq3A_32 : i1 to i32
      %cond3A_34 = arith.constant 0 : i32
      %cond3A_35 = arith.cmpi ne, %convert_element_type3A_33, %cond3A_34 : i32
      scf.if %cond3A_35 {
        %add3A_54 = arith.constant 2 : i32
        %add3A_55 = arith.addi %arg0, %add3A_54 : i32
        %mul3A = arith.constant 4096 : i32
        %mul3A_56 = arith.muli %add3A_55, %mul3A : i32
        %dma_start3A = arith.constant 0 : i32
        %dma_start3A_57 = tpu.memref_slice %arg1[%mul3A_56, %dma_start3A] : memref<204800x256xf32, #tpu.memory_space<any>> -> memref<4096x256xf32, #tpu.memory_space<any>>
        tpu.enqueue_dma source(%dma_start3A_57 : memref<4096x256xf32, #tpu.memory_space<any>>) target(%arg3 : memref<4096x256xf32, #tpu.memory_space<vmem>>) target_semaphore(%arg6 : memref<!tpu.dma_semaphore, #tpu.memory_space<semaphore_mem>>)
      } else {
      }
      %add3A_36 = arith.constant 2 : i32
      %add3A_37 = arith.addi %arg0, %add3A_36 : i32
      %rem3A_38 = arith.constant 3 : i32
      %rem3A_39 = arith.remsi %add3A_37, %rem3A_38 : i32
      %eq3A_40 = arith.constant 1 : i32
      %eq3A_41 = arith.cmpi eq, %rem3A_39, %eq3A_40 : i32
      %convert_element_type3A_42 = arith.extui %eq3A_41 : i1 to i32
      %cond3A_43 = arith.constant 0 : i32
      %cond3A_44 = arith.cmpi ne, %convert_element_type3A_42, %cond3A_43 : i32
      scf.if %cond3A_44 {
        %add3A_54 = arith.constant 2 : i32
        %add3A_55 = arith.addi %arg0, %add3A_54 : i32
        %mul3A = arith.constant 4096 : i32
        %mul3A_56 = arith.muli %add3A_55, %mul3A : i32
        %dma_start3A = arith.constant 0 : i32
        %dma_start3A_57 = tpu.memref_slice %arg1[%mul3A_56, %dma_start3A] : memref<204800x256xf32, #tpu.memory_space<any>> -> memref<4096x256xf32, #tpu.memory_space<any>>
        tpu.enqueue_dma source(%dma_start3A_57 : memref<4096x256xf32, #tpu.memory_space<any>>) target(%arg4 : memref<4096x256xf32, #tpu.memory_space<vmem>>) target_semaphore(%arg7 : memref<!tpu.dma_semaphore, #tpu.memory_space<semaphore_mem>>)
      } else {
      }
      %add3A_45 = arith.constant 2 : i32
      %add3A_46 = arith.addi %arg0, %add3A_45 : i32
      %rem3A_47 = arith.constant 3 : i32
      %rem3A_48 = arith.remsi %add3A_46, %rem3A_47 : i32
      %eq3A_49 = arith.constant 2 : i32
      %eq3A_50 = arith.cmpi eq, %rem3A_48, %eq3A_49 : i32
      %convert_element_type3A_51 = arith.extui %eq3A_50 : i1 to i32
      %cond3A_52 = arith.constant 0 : i32
      %cond3A_53 = arith.cmpi ne, %convert_element_type3A_51, %cond3A_52 : i32
      scf.if %cond3A_53 {
        %add3A_54 = arith.constant 2 : i32
        %add3A_55 = arith.addi %arg0, %add3A_54 : i32
        %mul3A = arith.constant 4096 : i32
        %mul3A_56 = arith.muli %add3A_55, %mul3A : i32
        %dma_start3A = arith.constant 0 : i32
        %dma_start3A_57 = tpu.memref_slice %arg1[%mul3A_56, %dma_start3A] : memref<204800x256xf32, #tpu.memory_space<any>> -> memref<4096x256xf32, #tpu.memory_space<any>>
        tpu.enqueue_dma source(%dma_start3A_57 : memref<4096x256xf32, #tpu.memory_space<any>>) target(%arg5 : memref<4096x256xf32, #tpu.memory_space<vmem>>) target_semaphore(%arg8 : memref<!tpu.dma_semaphore, #tpu.memory_space<semaphore_mem>>)
      } else {
      }
    } else {
    }
    %rem3A = arith.constant 3 : i32
    %rem3A_7 = arith.remsi %arg0, %rem3A : i32
    %eq3A_8 = arith.constant 0 : i32
    %eq3A_9 = arith.cmpi eq, %rem3A_7, %eq3A_8 : i32
    %convert_element_type3A_10 = arith.extui %eq3A_9 : i1 to i32
    %cond3A_11 = arith.constant 0 : i32
    %cond3A_12 = arith.cmpi ne, %convert_element_type3A_10, %cond3A_11 : i32
    scf.if %cond3A_12 {
      %mul3A = arith.constant 4096 : i32
      %mul3A_27 = arith.muli %arg0, %mul3A : i32
      %dma_wait3A = arith.constant 0 : i32
      %dma_wait3A_28 = tpu.memref_slice %arg1[%mul3A_27, %dma_wait3A] : memref<204800x256xf32, #tpu.memory_space<any>> -> memref<4096x256xf32, #tpu.memory_space<any>>
      tpu.wait_dma2 semaphore(%arg6 : memref<!tpu.dma_semaphore, #tpu.memory_space<semaphore_mem>>) src(%dma_wait3A_28 : memref<4096x256xf32, #tpu.memory_space<any>>) dst(%arg3 : memref<4096x256xf32, #tpu.memory_space<vmem>>)
      %get3A = arith.constant 0 : index
      %get3A_29 = arith.constant 0 : index
      %get3A_30 = vector.load %arg3[%get3A, %get3A_29] : memref<4096x256xf32, #tpu.memory_space<vmem>>, vector<4096x256xf32>
      %reshape3A = vector.shape_cast %get3A_30 : vector<4096x256xf32> to vector<1x4096x256xf32>
      %swap3A = arith.constant 0 : index
      %swap3A_31 = arith.constant 0 : index
      %swap3A_32 = arith.constant 0 : index
      %swap3A_33 = vector.load %arg2[%swap3A, %swap3A_31, %swap3A_32] : memref<1x4096x256xf32, #tpu.memory_space<vmem>>, vector<1x4096x256xf32>
      tpu.vector_store %arg2[%swap3A, %swap3A_31, %swap3A_32], %reshape3A {strides = array<i32>} : memref<1x4096x256xf32, #tpu.memory_space<vmem>>, vector<1x4096x256xf32>,
    } else {
    }
    %rem3A_13 = arith.constant 3 : i32
    %rem3A_14 = arith.remsi %arg0, %rem3A_13 : i32
    %eq3A_15 = arith.constant 1 : i32
    %eq3A_16 = arith.cmpi eq, %rem3A_14, %eq3A_15 : i32
    %convert_element_type3A_17 = arith.extui %eq3A_16 : i1 to i32
    %cond3A_18 = arith.constant 0 : i32
    %cond3A_19 = arith.cmpi ne, %convert_element_type3A_17, %cond3A_18 : i32
    scf.if %cond3A_19 {
      %mul3A = arith.constant 4096 : i32
      %mul3A_27 = arith.muli %arg0, %mul3A : i32
      %dma_wait3A = arith.constant 0 : i32
      %dma_wait3A_28 = tpu.memref_slice %arg1[%mul3A_27, %dma_wait3A] : memref<204800x256xf32, #tpu.memory_space<any>> -> memref<4096x256xf32, #tpu.memory_space<any>>
      tpu.wait_dma2 semaphore(%arg7 : memref<!tpu.dma_semaphore, #tpu.memory_space<semaphore_mem>>) src(%dma_wait3A_28 : memref<4096x256xf32, #tpu.memory_space<any>>) dst(%arg4 : memref<4096x256xf32, #tpu.memory_space<vmem>>)
      %get3A = arith.constant 0 : index
      %get3A_29 = arith.constant 0 : index
      %get3A_30 = vector.load %arg4[%get3A, %get3A_29] : memref<4096x256xf32, #tpu.memory_space<vmem>>, vector<4096x256xf32>
      %reshape3A = vector.shape_cast %get3A_30 : vector<4096x256xf32> to vector<1x4096x256xf32>
      %swap3A = arith.constant 0 : index
      %swap3A_31 = arith.constant 0 : index
      %swap3A_32 = arith.constant 0 : index
      %swap3A_33 = vector.load %arg2[%swap3A, %swap3A_31, %swap3A_32] : memref<1x4096x256xf32, #tpu.memory_space<vmem>>, vector<1x4096x256xf32>
      tpu.vector_store %arg2[%swap3A, %swap3A_31, %swap3A_32], %reshape3A {strides = array<i32>} : memref<1x4096x256xf32, #tpu.memory_space<vmem>>, vector<1x4096x256xf32>,
    } else {
    }
    %rem3A_20 = arith.constant 3 : i32
    %rem3A_21 = arith.remsi %arg0, %rem3A_20 : i32
    %eq3A_22 = arith.constant 2 : i32
    %eq3A_23 = arith.cmpi eq, %rem3A_21, %eq3A_22 : i32
    %convert_element_type3A_24 = arith.extui %eq3A_23 : i1 to i32
    %cond3A_25 = arith.constant 0 : i32
    %cond3A_26 = arith.cmpi ne, %convert_element_type3A_24, %cond3A_25 : i32
    scf.if %cond3A_26 {
      %mul3A = arith.constant 4096 : i32
      %mul3A_27 = arith.muli %arg0, %mul3A : i32
      %dma_wait3A = arith.constant 0 : i32
      %dma_wait3A_28 = tpu.memref_slice %arg1[%mul3A_27, %dma_wait3A] : memref<204800x256xf32, #tpu.memory_space<any>> -> memref<4096x256xf32, #tpu.memory_space<any>>
      tpu.wait_dma2 semaphore(%arg8 : memref<!tpu.dma_semaphore, #tpu.memory_space<semaphore_mem>>) src(%dma_wait3A_28 : memref<4096x256xf32, #tpu.memory_space<any>>) dst(%arg5 : memref<4096x256xf32, #tpu.memory_space<vmem>>)
      %get3A = arith.constant 0 : index
      %get3A_29 = arith.constant 0 : index
      %get3A_30 = vector.load %arg5[%get3A, %get3A_29] : memref<4096x256xf32, #tpu.memory_space<vmem>>, vector<4096x256xf32>
      %reshape3A = vector.shape_cast %get3A_30 : vector<4096x256xf32> to vector<1x4096x256xf32>
      %swap3A = arith.constant 0 : index
      %swap3A_31 = arith.constant 0 : index
      %swap3A_32 = arith.constant 0 : index
      %swap3A_33 = vector.load %arg2[%swap3A, %swap3A_31, %swap3A_32] : memref<1x4096x256xf32, #tpu.memory_space<vmem>>, vector<1x4096x256xf32>
      tpu.vector_store %arg2[%swap3A, %swap3A_31, %swap3A_32], %reshape3A {strides = array<i32>} : memref<1x4096x256xf32, #tpu.memory_space<vmem>>, vector<1x4096x256xf32>,
    } else {
    }
    return
  }
  func.func @transform_1(%arg0: i32) -> (i32, i32, i32) {
    %jit3A = arith.constant 1 : i32
    %div3A = arith.divsi %arg0, %jit3A : i32
    %sign3A = arith.constant 0 : i32
    %sign3A_0 = arith.cmpi sgt, %arg0, %sign3A : i32
    %sign3A_1 = arith.extui %sign3A_0 : i1 to i32
    %sign3A_2 = arith.constant 0 : i32
    %sign3A_3 = arith.cmpi slt, %arg0, %sign3A_2 : i32
    %sign3A_4 = arith.extui %sign3A_3 : i1 to i32
    %sign3A_5 = arith.subi %sign3A_1, %sign3A_4 : i32
    %sign3A_6 = arith.constant 0 : i32
    %sign3A_7 = arith.cmpi sgt, %jit3A, %sign3A_6 : i32
    %sign3A_8 = arith.extui %sign3A_7 : i1 to i32
    %sign3A_9 = arith.constant 0 : i32
    %sign3A_10 = arith.cmpi slt, %jit3A, %sign3A_9 : i32
    %sign3A_11 = arith.extui %sign3A_10 : i1 to i32
    %sign3A_12 = arith.subi %sign3A_8, %sign3A_11 : i32
    %ne3A = arith.cmpi ne, %sign3A_5, %sign3A_12 : i32
    %rem3A = arith.remsi %arg0, %jit3A : i32
    %ne3A_13 = arith.constant 0 : i32
    %ne3A_14 = arith.cmpi ne, %rem3A, %ne3A_13 : i32
    %and3A = arith.andi %ne3A, %ne3A_14 : i1
    %sub3A = arith.constant 1 : i32
    %sub3A_15 = arith.subi %div3A, %sub3A : i32
    %select_n3A = arith.select %and3A, %sub3A_15, %div3A : i32
    %jit3A_16 = arith.constant 1 : i32
    %eq3A = arith.constant 0 : i32
    %eq3A_17 = arith.cmpi eq, %jit3A_16, %eq3A : i32
    %jit3A_18 = arith.constant 1 : i32
    %select_n3A_19 = arith.select %eq3A_17, %jit3A_18, %jit3A_16 : i32
    %rem3A_20 = arith.remsi %arg0, %select_n3A_19 : i32
    %ne3A_21 = arith.constant 0 : i32
    %ne3A_22 = arith.cmpi ne, %rem3A_20, %ne3A_21 : i32
    %lt3A = arith.constant 0 : i32
    %lt3A_23 = arith.cmpi slt, %rem3A_20, %lt3A : i32
    %lt3A_24 = arith.constant 0 : i32
    %lt3A_25 = arith.cmpi slt, %select_n3A_19, %lt3A_24 : i32
    %ne3A_26 = arith.xori %lt3A_23, %lt3A_25 : i1
    %and3A_27 = arith.andi %ne3A_26, %ne3A_22 : i1
    %add3A = arith.addi %rem3A_20, %select_n3A_19 : i32
    %select_n3A_28 = arith.select %and3A_27, %add3A, %rem3A_20 : i32
    %c0_i32 = arith.constant 0 : i32
    %c0_i32_29 = arith.constant 0 : i32
    return %select_n3A, %select_n3A_28, %c0_i32 : i32, i32, i32
  }
}

</mosaic_0001>

<sc_bundles>
// kernel: kernel.4.cloned.1.call-start
scs
__scs_entry_jumppad:
0x0: {  	(pc) =	sbr.rel $0x88, $3  }
0x1: {  	(tag) =	ssettag $0x0;
	lr =	simm.s32 $0x1  }
0x2: {  	[smem:$0x3F9F] =	sst lr;
	_ =	strace $0xD0000000  }
0x3: {  	_ = 	snop  }
0x4: {  	_ = 	snop  }
0x5: {  	_ = 	snop  }
0x6: {  	_ = 	snop  }
0x7: {  	_ = 	snop  }
__scs_overlays_trampoline_lowered:
0x8: {  	[smem:$0x3FAE] =	sst s0  }
0x9: {  	[smem:$0x3FAF] =	sst s1  }
0xa: {  	[smem:$0x3FB0] =	sst s2  }
0xb: {  	[smem:$0x3FB1] =	sst s3  }
0xc: {  	[smem:$0x3FB2] =	sst s4  }
0xd: {  	[smem:$0x3FB3] =	sst s5  }
0xe: {  	[smem:$0x3FB4] =	sst s6  }
0xf: {  	[smem:$0x3FB5] =	sst s7  }
0x10: {  	[smem:$0x3FB6] =	sst s8  }
0x11: {  	[smem:$0x3FB7] =	sst s9;
	s0 =	simm.s32 @!p0 $0x0  }
0x12: {  	s1 =	sld [smem:$0x3F9D];
	s0 =	simm.s32 @p0 $0x1  }
0x13: {  	[smem:$0x3FB8] =	sst s0;
	s0 =	simm.s32 @!p1 $0x0  }
0x14: {  	s2 =	sld [smem:$0x3F9C];
	s0 =	simm.s32 @p1 $0x1  }
0x15: {  	[smem:$0x3FB9] =	sst s0;
	s0 =	simm.s32 @!p2 $0x0  }
0x16: {  	s3 =	sld [smem:$0x3FDB];
	s0 =	simm.s32 @p2 $0x1  }
0x17: {  	s4 =	simm.s32 $0x1BF5;
	[smem:$0x3FBB] =	sst s0  }
0x18: {  	s0 =	sld [smem:$0x3F9E];
	_ =	swait.ge [sflag:s4], $0x0  }
0x19: {  	s7 =	sld [smem:$0x3F9F]  }
0x1a: {  	s8 =	sadd.s32 $0xFFFFE003, lr  }
0x1b: {  	s9 =	sadd.s32 $0xFFFFFEF7, lr;
	s5 =	simm.s32 $0xFFFFFFFF;
	p2 =	slt.u32 s8, $0xFFFFF086  }
0x1c: {  	p1 =	slt.u32 s9, $0xF7A;
	s5 =	simm.s32 @!p2 $0x0  }
0x1d: {  	s5 =	simm.s32 @p1 $0x1;
	p0 =	seq.s32 s7, s2  }
0x1e: {  	s7 =	smul.u32 @!p0 $0xF7A, s2;
	p2 =	seq.s32 @!p0 s5, $0x0  }
0x1f: {  	s9 =	smul.u32 $0xF7A, s1;
	s8 =	simm.s32 @!p0 $0x1BF5;
	p2 =	por !p2, p0  }
0x20: {  	[sflag:s8] =	ssyncset.s32 @!p0 $0xFFFFF086;
	s6 =	sadd.s32 @!p0 s3, s7;
	s7 =	simm.s32 @!p0 $0x108  }
0x21: {  	s3 =	sadd.s32 s3, s9;
	s6 =	sadd.s32 @!p0 $0x88, s6;
	s7 =	simm.s32 @p2 $0x1082  }
0x22: {  	[simem:s7], [sflag:s8] =	dma.local @!p0 [hbm:s6], $0xF7A  }
0x23: {  	s9 =	sor.u32 $0xD0000000, s2;
	s6 =	simm.s32 $0x108;
	_ =	swait.ge @!p0 [sflag:s8], $0x0  }
0x24: {  	s3 =	sadd.s32 $0x88, s3;
	s6 =	simm.s32 @!p1 $0x1082;
	[sflag:s4] =	ssyncset.s32 $0xFFFFF086  }
0x25: {  	[simem:s6], [sflag:s4] =	dma.local [hbm:s3], $0xF7A  }
0x26: {  	[smem:$0x3F9F] =	sst s1;
	(tag) =	ssettag s2;
	_ =	strace s9  }
0x27: {  	s1 =	sld [smem:$0x3FAF]  }
0x28: {  	s2 =	sld [smem:$0x3FB0]  }
0x29: {  	s4 =	sld [smem:$0x3FB2]  }
0x2a: {  	p0 =	seq.s32 s5, $0x0;
	s5 =	sld [smem:$0x3FB3]  }
0x2b: {  	s6 =	sld [smem:$0x3FB4]  }
0x2c: {  	s7 =	sld [smem:$0x3FB5]  }
0x2d: {  	s3 =	simm.s32 $0x108;
	s8 =	sld [smem:$0x3FB6]  }
0x2e: {  	s3 =	simm.s32 @!p0 $0x1082;
	s9 =	sld [smem:$0x3FB7]  }
0x2f: {  	lr =	sadd.s32 s0, s3;
	s0 =	sld [smem:$0x3FAE]  }
0x30: {  	s3 =	sld [smem:$0x3FB1]  }
0x31: {  	[smem:$0x3FBA] =	sst s10  }
0x32: {  	s10 =	sld [smem:$0x3FB8];
	_ =	sdelay $0x3  }
0x33: {  	p0 =	seq.s32 s10, $0x1;
	s10 =	sld [smem:$0x3FBA];
	_ =	sdelay $0x3  }
0x34: {  	[smem:$0x3FBA] =	sst s10  }
0x35: {  	s10 =	sld [smem:$0x3FB9];
	_ =	sdelay $0x3  }
0x36: {  	p1 =	seq.s32 s10, $0x1;
	s10 =	sld [smem:$0x3FBA];
	_ =	sdelay $0x3  }
0x37: {  	[smem:$0x3FBA] =	sst s10  }
0x38: {  	s10 =	sld [smem:$0x3FBB]  }
0x39: {  	_ = 	snop;
	(pc) =	sbr.ind lr, $3  }
0x3a: {  	_ = 	snop  }
0x3b: {  	_ = 	snop  }
0x3c: {  	p2 =	seq.s32 s10, $0x1;
	s10 =	sld [smem:$0x3FBA]  }
0x3d: {  	_ =	shalt  }
0x3e: {  	_ =	shalt  }
0x3f: {  	_ =	shalt  }
0x40: {  	_ =	shalt  }
0x41: {  	_ =	shalt  }
0x42: {  	_ =	shalt  }
0x43: {  	_ =	shalt  }
0x44: {  	_ =	shalt  }
0x45: {  	_ =	shalt  }
0x46: {  	_ =	shalt  }
0x47: {  	_ =	shalt  }
0x48: {  	_ =	shalt  }
0x49: {  	_ =	shalt  }
0x4a: {  	_ =	shalt  }
0x4b: {  	_ =	shalt  }
0x4c: {  	_ =	shalt  }
0x4d: {  	_ =	shalt  }
0x4e: {  	_ =	shalt  }
0x4f: {  	_ =	shalt  }
0x50: {  	_ =	shalt  }
0x51: {  	_ =	shalt  }
0x52: {  	_ =	shalt  }
0x53: {  	_ =	shalt  }
0x54: {  	_ =	shalt  }
0x55: {  	_ =	shalt  }
0x56: {  	_ =	shalt  }
0x57: {  	_ =	shalt  }
0x58: {  	_ =	shalt  }
0x59: {  	_ =	shalt  }
0x5a: {  	_ =	shalt  }
0x5b: {  	_ =	shalt  }
0x5c: {  	_ =	shalt  }
0x5d: {  	_ =	shalt  }
0x5e: {  	_ =	shalt  }
0x5f: {  	_ =	shalt  }
0x60: {  	_ =	shalt  }
0x61: {  	_ =	shalt  }
0x62: {  	_ =	shalt  }
0x63: {  	_ =	shalt  }
0x64: {  	_ =	shalt  }
0x65: {  	_ =	shalt  }
0x66: {  	_ =	shalt  }
0x67: {  	_ =	shalt  }
0x68: {  	_ =	shalt  }
0x69: {  	_ =	shalt  }
0x6a: {  	_ =	shalt  }
0x6b: {  	_ =	shalt  }
0x6c: {  	_ =	shalt  }
0x6d: {  	_ =	shalt  }
0x6e: {  	_ =	shalt  }
0x6f: {  	_ =	shalt  }
0x70: {  	_ =	shalt  }
0x71: {  	_ =	shalt  }
0x72: {  	_ =	shalt  }
0x73: {  	_ =	shalt  }
0x74: {  	_ =	shalt  }
0x75: {  	_ =	shalt  }
0x76: {  	_ =	shalt  }
0x77: {  	_ =	shalt  }
0x78: {  	_ =	shalt  }
0x79: {  	_ =	shalt  }
0x7a: {  	_ =	shalt  }
0x7b: {  	_ =	shalt  }
0x7c: {  	_ =	shalt  }
0x7d: {  	_ =	shalt  }
0x7e: {  	_ =	shalt  }
0x7f: {  	_ =	shalt  }
0x80: {  	_ =	shalt  }
0x81: {  	_ =	shalt  }
0x82: {  	_ =	shalt  }
0x83: {  	_ =	shalt  }
0x84: {  	_ =	shalt  }
0x85: {  	_ =	shalt  }
0x86: {  	_ =	shalt  }
0x87: {  	_ =	shalt  }
.Lfunc_end0:
.L_simem_size_0:
called_computation_lowered:
.L_overlay_start_0:
0x88: {  	s2 =	sld [smem:$0x3FD9]  }
0x89: {  	s3 =	sld [smem:$0x3FFE];
	_ =	sdelay $0x1  }
0x8a: {  	s1 =	srdreg.scid  }
0x8b: {  	s0 =	sand.u32 $0x1, s1  }
0x8c: {  	s17 =	sshll.u32 s0, $0xA;
	s2 =	sadd.s32 s3, s2  }
0x8d: {  	s2 =	sadd.s32 s2, s17  }
0x8e: {  	[smem:$0x3FC6] =	sst s2  }
0x8f: {  	_ = 	snop  }
0x90: {  	s2 =	sld [smem:$0x3FD0];
	(tm) =	ssettm $0x1  }
0x91: {  	s18 =	sld [smem:$0x3FFB];
	_ =	sdelay $0x3  }
0x92: {  	_ =	strace s18  }
0x93: {  	s3 =	sld [smem:$0x3FFC];
	_ =	sdelay $0x3  }
0x94: {  	_ =	strace s3  }
0x95: {  	s3 =	sld [smem:$0x3FFD];
	_ =	sdelay $0x3  }
0x96: {  	_ =	strace s3  }
0x97: {  	_ =	strace $0x8FFFFFFF  }
0x98: {  	s19 =	sld [smem:$0x3FDB];
	_ =	sdelay $0x1  }
0x99: {  	s4 =	simm.s32 $_scs_section_size  }
0x9a: {  	s5 =	simm.s32 $_size__tile_overlayer_lowered;
	s6 =	simm.s32 $_tile_overlayer_lowered  }
0x9b: {  	s22 =	simm.s32 $0x1BFF;
	s21 =	sshll.u32 s6, $0x1;
	s3 =	sadd.s32 s4, s19  }
0x9c: {  	s7 =	simm.s32 $0x0;
	s20 =	sshll.u32 s5, $0x1;
	s5 =	sadd.s32 s21, s3  }
0x9d: {  	[timem:s7], [sflag:s22] =	dma.local [hbm:s5], s20  }
0x9e: {  	_ =	swait.ge [sflag:s22], s20  }
0x9f: {  	s4 =	ssub.s32 $0x0, s20;
	[sflag:s22] =	ssyncset.done $0x0  }
0xa0: {  	[sflag:s22] =	ssyncadd.s32 s4;
	_ =	sdelay $0x1  }
0xa1: {  	s23 =	simm.s32 $0x1B8B  }
0xa2: {  	_ =	swait.ge [sflag:s23], $0x1  }
0xa3: {  	[sflag:s23] =	ssyncset.done $0x0  }
0xa4: {  	s25 =	simm.s32 $0x1B8E;
	s24 =	sld [smem:$0x3FFE];
	[sflag:s23] =	ssyncadd.s32 $0xFFFFFFFF  }
0xa5: {  	s26 =	simm.s32 $execute0_lowered;
	[smem:$0x3FD2] =	sst s25  }
0xa6: {  	s5 =	sshll.u32 s26, $0x1;
	_ =	strace $0x80000046;
	[dreg:$0x1] =	wrdreg $0xFFFFFFFF  }
0xa7: {  	s28 =	simm.s32 $_size_execute0_lowered;
	s3 =	sadd.s32 s3, s5;
	[dreg:$0x0] =	wrdreg $0x0  }
0xa8: {  	s5 =	sshll.u32 s28, $0x1;
	[dreg:$0x2] =	wrdreg s3  }
0xa9: {  	[dreg:$0x3] =	wrdreg s5  }
0xaa: {  	[dreg:$0x4] =	wrdreg $0xC0  }
0xab: {  	_ =	task [dreg:s7], $0x5FFFF  }
0xac: {  	[dreg:$0x1] =	wrdreg $0xFFFFFFFF  }
0xad: {  	[dreg:$0x0] =	wrdreg $0x60  }
0xae: {  	[dreg:$0x2] =	wrdreg s2  }
0xaf: {  	[dreg:$0x3] =	wrdreg s24  }
0xb0: {  	[dreg:$0x4] =	wrdreg $0x9  }
0xb1: {  	_ =	task.clear_ibuf [dreg:s7], $0x5FFFF;
	_ =	strace $0x90000046  }
0xb2: {  	s29 =	simm.s32 $0x9;
	_ =	strace $0x80000048  }
0xb3: {  	_ =	swait.ge [sflag:s29], $0x1  }
0xb4: {  	[sflag:s29] =	ssyncadd.s32 $0xFFFFFFFF  }
0xb5: {  	_ =	strace $0x90000048  }
0xb6: {  	_ =	sfence  }
0xb7: {  	s30 =	sld [smem:$0x0];
	_ =	sdelay $0x2  }
0xb8: {  	s31 =	sshll.u32 s1, $0xD;
	s1 =	sshrl.u32 s1, $0x2  }
0xb9: {  	s3 =	sand.u32 $0x4000, s31;
	s1 =	sadd.s32 s1, s30  }
0xba: {  	s0 =	sor.u32 s3, s0;
	s1 =	sshll.u32 s1, $0x11  }
0xbb: {  	s0 =	sor.u32 s1, s0  }
0xbc: {  	s0 =	sadd.s32 $0x8F2B, s0  }
0xbd: {  	[sflag:s0] =	ssyncadd.remote.s32 $0x1  }
0xbe: {  	_ =	sfence.sel $0xFFFF  }
0xbf: {  	[dreg:$0x0] =	wrdreg $0xFFFFFFFF;
	(pc) =	sbr.abs _section_cstart, $3  }
0xc0: {  	[dreg:$0x1] =	wrdreg $0xFFFFFFFF  }
0xc1: {  	_ =	task.clear_ibuf [dreg:s7], $0x2FFFF;
	_ =	strace $0x9FFFFFFF  }
0xc2: {  	(tm) =	ssettm $0x7FFFFFFF  }
0xc3: {  	_ =	shalt  }
tec
execute0_lowered:
.L_overlay_start_1:
0x0: {  	(tag) =	ssettag $0x1  }
0x1: {  	s2 =	rddreg [dreg:$0x0]  }
0x2: {  	s0 =	rddreg [dreg:$0x1]  }
0x3: {  	s1 =	srdreg.scid;
	s3 =	stileid.u32  }
0x4: {  	s8 =	simm.s32 $0x1C00;
	s23 =	simm.s32 $0x9400;
	s24 =	simm.s32 $0x9C00  }
0x5: {  	s25 =	simm.s32 $0xA400;
	s28 =	simm.s32 $0xB400;
	s29 =	simm.s32 $0xBC00  }
0x6: {  	s30 =	simm.s32 $0xC400;
	s31 =	simm.s32 $0xCC00;
	s7 =	simm.s32 $0xFC00  }
0x7: {  	s9 =	simm.s32 $0x10400;
	s10 =	simm.s32 $0x10C00;
	s11 =	simm.s32 $0x11400  }
0x8: {  	s12 =	simm.s32 $0x5;
	s13 =	simm.s32 $0x3;
	s14 =	simm.s32 $0x11C00  }
0x9: {  	s15 =	simm.s32 $0x4;
	s16 =	simm.s32 $0x2;
	s17 =	simm.s32 $0x1  }
0xa: {  	s18 =	simm.s32 $0x0;
	s1 =	sand.u32 $0x1, s1;
	s4 =	sshll.u32 s3, $0x1  }
0xb: {  	s5 =	smul.u32 $0x320000, s3;
	s3 =	simm.s32 $0x0;
	s4 =	sor.u32 s1, s4  }
0xc: {  	s6 =	smul.u32 $0x190000, s1;
	[smem:$0x7FF] =	sst s3;
	s1 =	ssub.s32 $0x2, s1  }
0xd: {  	s4 =	smul.u32 $0x380, s4;
	_ =	strace $0x80000047;
	s26 =	sshrl.u32 s1, $0x1  }
0xe: {  	s5 =	sadd.s32 s6, s5;
	s1 =	ssub.s32 s1, s26;
	s26 =	simm.s32 $0xAC00  }
.Ltmp0:
0xf: {  	s6 =	simm.s32 $0xF400;
	s5 =	sshrl.u32 s5, $0x3;
	(pc) =	sbr.rel .LBB2_1-.Ltmp0, $4  }
0x10: {  	s4 =	sadd.s32 s4, s0;
	s1 =	smax.u32 s1, $0x1;
	s0 =	sadd.s32 s5, s0  }
0x11: {  	v2 =	vlaneseq.u32;
	s4 =	sadd.s32 $0x400, s4;
	[dreg:$0x4] =	wrdreg s1;
	s1 =	simm.s32 $0xDC00  }
0x12: {  	vm0 =	vmmov $0xffff;
	v1 =	vshrl.u32 v2, $0x3;
	s5 =	simm.s32 $0xEC00;
	[dreg:$0x3] =	wrdreg s4;
	s0 =	sadd.s32 $0x7400, s0  }
0x13: {  	v0 =	vand.u32 $0x7, v2;
	v2 =	vor.u32 $0x8, v2;
	v1 =	vmul.u32 $0x8, v1;
	s4 =	simm.s32 $0xE400;
	[dreg:$0x5] =	wrdreg s0;
	s0 =	simm.s32 $0xD400  }
.LBB2_14:
0x14: {  	s19 =	simm.s32 $0x6  }
0x15: {  	_ =	swait.ge [sflag:s19], $0x8000  }
0x16: {  	[sflag:s19] =	ssyncset.done $0x0  }
0x17: {  	[sflag:s19] =	ssyncadd.s32 $0xFFFF8000  }
0x18: {  	_ =	swait.ge [sflag:s15], $0x8000  }
0x19: {  	[sflag:s15] =	ssyncset.done $0x0  }
0x1a: {  	[sflag:s15] =	ssyncadd.s32 $0xFFFF8000  }
0x1b: {  	_ =	swait.ge [sflag:s12], $0x8000  }
0x1c: {  	s18 =	sadd.s32 $0x1, s18;
	s22 =	rddreg [dreg:$0x4]  }
0x1d: {  	p0 =	sne.s32 s18, s22  }
.Ltmp1:
0x1e: {  	_ = 	snop;
	(pc) =	sbr.rel @!p0 .LBB2_15-.Ltmp1, $3  }
0x1f: {  	_ =	sdelay $0x1  }
0x20: {  	[sflag:s12] =	ssyncset.done $0x0  }
0x21: {  	[sflag:s12] =	ssyncadd.s32 $0xFFFF8000  }
.LBB2_1:
0x22: {  	s19 =	rddreg [dreg:$0x3];
	s20 =	simm.s32 $0x7  }
0x23: {  	[tilespmem:s3], [sflag:$0x7] =	stream.linear.gather [hbm4b:s19+s3], $0x1900, $0x38;
	[tilespmem:$0x19C00] =	vst v63  }
0x24: {  	_ =	swait.ge [sflag:s20], $0x1900  }
0x25: {  	[sflag:s20] =	ssyncset.done $0x0  }
0x26: {  	[sflag:s20] =	ssyncadd.s32 $0xFFFFE700  }
0x27: {  	v3 =	vld [tilespmem:$0x0];
	_ =	sdelay $0x4  }
0x28: {  	v4 =	vshll.u32 v3, $0x1  }
0x29: {  	v3 =	vand.u32 $0x7, v3;
	v4 =	vand.u32 $0xFFFFFFF0, v4  }
0x2a: {  	v3 =	vor.u32 v3, v4  }
0x2b: {  	v4 =	vperm.xlane v3, v0;
	_ =	sdelay $0x1  }
0x2c: {  	v3 =	vperm.xlane v3, v2;
	v4 =	vadd.s32 v1, v4;
	_ =	sdelay $0x1  }
0x2d: {  	v3 =	vadd.s32 v1, v3;
	_ =	sdelay $0x2  }
0x2e: {  	[tilespmem:s8], [sflag:$0x1] =	stream.indirect_vreg.gather [hbm4b:s2+s3], $0x80, v4, vm0, $0xb8;
	[tilespmem:$0x19C00] =	vst v63  }
0x2f: {  	s21 =	simm.s32 $0x2400  }
0x30: {  	[tilespmem:s21], [sflag:$0x1] =	stream.indirect_vreg.gather [hbm4b:s2+s3], $0x80, v3, vm0, $0xb8;
	[tilespmem:$0x19C00] =	vst v63  }
0x31: {  	v3 =	vld [tilespmem:$0x10];
	_ =	sdelay $0x4  }
0x32: {  	v49 =	vshll.u32 v3, $0x1  }
0x33: {  	v3 =	vand.u32 $0x7, v3;
	v4 =	vand.u32 $0xFFFFFFF0, v49  }
0x34: {  	v3 =	vor.u32 v3, v4  }
0x35: {  	v4 =	vperm.xlane v3, v0;
	_ =	sdelay $0x1  }
0x36: {  	v3 =	vperm.xlane v3, v2;
	v4 =	vadd.s32 v1, v4;
	_ =	sdelay $0x1  }
0x37: {  	v3 =	vadd.s32 v1, v3;
	_ =	sdelay $0x1  }
0x38: {  	s22 =	simm.s32 $0x2C00  }
0x39: {  	[tilespmem:s22], [sflag:$0x1] =	stream.indirect_vreg.gather [hbm4b:s2+s3], $0x80, v4, vm0, $0xb8;
	[tilespmem:$0x19C00] =	vst v63  }
0x3a: {  	s20 =	simm.s32 $0x3400  }
0x3b: {  	[tilespmem:s20], [sflag:$0x1] =	stream.indirect_vreg.gather [hbm4b:s2+s3], $0x80, v3, vm0, $0xb8;
	[tilespmem:$0x19C00] =	vst v63  }
0x3c: {  	v3 =	vld [tilespmem:$0x20];
	_ =	sdelay $0x4  }
0x3d: {  	v50 =	vshll.u32 v3, $0x1  }
0x3e: {  	v3 =	vand.u32 $0x7, v3;
	v4 =	vand.u32 $0xFFFFFFF0, v50  }
0x3f: {  	v3 =	vor.u32 v3, v4  }
0x40: {  	v4 =	vperm.xlane v3, v0;
	_ =	sdelay $0x1  }
0x41: {  	v3 =	vperm.xlane v3, v2;
	v4 =	vadd.s32 v1, v4;
	_ =	sdelay $0x1  }
0x42: {  	v3 =	vadd.s32 v1, v3;
	_ =	sdelay $0x1  }
0x43: {  	s21 =	simm.s32 $0x3C00  }
0x44: {  	[tilespmem:s21], [sflag:$0x1] =	stream.indirect_vreg.gather [hbm4b:s2+s3], $0x80, v4, vm0, $0xb8;
	[tilespmem:$0x19C00] =	vst v63  }
0x45: {  	s22 =	simm.s32 $0x4400  }
0x46: {  	[tilespmem:s22], [sflag:$0x1] =	stream.indirect_vreg.gather [hbm4b:s2+s3], $0x80, v3, vm0, $0xb8;
	[tilespmem:$0x19C00] =	vst v63  }
0x47: {  	v3 =	vld [tilespmem:$0x30];
	_ =	sdelay $0x4  }
0x48: {  	v51 =	vshll.u32 v3, $0x1  }
0x49: {  	v3 =	vand.u32 $0x7, v3;
	v4 =	vand.u32 $0xFFFFFFF0, v51  }
0x4a: {  	v3 =	vor.u32 v3, v4  }
0x4b: {  	v4 =	vperm.xlane v3, v0;
	_ =	sdelay $0x1  }
0x4c: {  	v3 =	vperm.xlane v3, v2;
	v4 =	vadd.s32 v1, v4;
	_ =	sdelay $0x1  }
0x4d: {  	v3 =	vadd.s32 v1, v3;
	_ =	sdelay $0x1  }
0x4e: {  	s20 =	simm.s32 $0x4C00  }
0x4f: {  	[tilespmem:s20], [sflag:$0x1] =	stream.indirect_vreg.gather [hbm4b:s2+s3], $0x80, v4, vm0, $0xb8;
	[tilespmem:$0x19C00] =	vst v63  }
0x50: {  	s21 =	simm.s32 $0x5400  }
0x51: {  	[tilespmem:s21], [sflag:$0x1] =	stream.indirect_vreg.gather [hbm4b:s2+s3], $0x80, v3, vm0, $0xb8;
	[tilespmem:$0x19C00] =	vst v63  }
0x52: {  	v3 =	vld [tilespmem:$0x40];
	_ =	sdelay $0x4  }
0x53: {  	v52 =	vshll.u32 v3, $0x1  }
0x54: {  	v3 =	vand.u32 $0x7, v3;
	v4 =	vand.u32 $0xFFFFFFF0, v52  }
0x55: {  	v3 =	vor.u32 v3, v4  }
0x56: {  	v4 =	vperm.xlane v3, v0;
	_ =	sdelay $0x1  }
0x57: {  	v3 =	vperm.xlane v3, v2;
	v4 =	vadd.s32 v1, v4;
	_ =	sdelay $0x1  }
0x58: {  	v3 =	vadd.s32 v1, v3;
	_ =	sdelay $0x1  }
0x59: {  	s22 =	simm.s32 $0x5C00  }
0x5a: {  	[tilespmem:s22], [sflag:$0x1] =	stream.indirect_vreg.gather [hbm4b:s2+s3], $0x80, v4, vm0, $0xb8;
	[tilespmem:$0x19C00] =	vst v63  }
0x5b: {  	s20 =	simm.s32 $0x6400  }
0x5c: {  	[tilespmem:s20], [sflag:$0x1] =	stream.indirect_vreg.gather [hbm4b:s2+s3], $0x80, v3, vm0, $0xb8;
	[tilespmem:$0x19C00] =	vst v63  }
0x5d: {  	v3 =	vld [tilespmem:$0x50];
	_ =	sdelay $0x4  }
0x5e: {  	v53 =	vshll.u32 v3, $0x1  }
0x5f: {  	v3 =	vand.u32 $0x7, v3;
	v4 =	vand.u32 $0xFFFFFFF0, v53  }
0x60: {  	v3 =	vor.u32 v3, v4  }
0x61: {  	v4 =	vperm.xlane v3, v0;
	_ =	sdelay $0x1  }
0x62: {  	v3 =	vperm.xlane v3, v2;
	v4 =	vadd.s32 v1, v4;
	_ =	sdelay $0x1  }
0x63: {  	v3 =	vadd.s32 v1, v3;
	_ =	sdelay $0x1  }
0x64: {  	s21 =	simm.s32 $0x6C00  }
0x65: {  	[tilespmem:s21], [sflag:$0x1] =	stream.indirect_vreg.gather [hbm4b:s2+s3], $0x80, v4, vm0, $0xb8;
	[tilespmem:$0x19C00] =	vst v63  }
0x66: {  	s22 =	simm.s32 $0x7400  }
0x67: {  	[tilespmem:s22], [sflag:$0x1] =	stream.indirect_vreg.gather [hbm4b:s2+s3], $0x80, v3, vm0, $0xb8;
	[tilespmem:$0x19C00] =	vst v63  }
0x68: {  	v3 =	vld [tilespmem:$0x60];
	_ =	sdelay $0x4  }
0x69: {  	v54 =	vshll.u32 v3, $0x1  }
0x6a: {  	v3 =	vand.u32 $0x7, v3;
	v4 =	vand.u32 $0xFFFFFFF0, v54  }
0x6b: {  	v3 =	vor.u32 v3, v4  }
0x6c: {  	v4 =	vperm.xlane v3, v0;
	_ =	sdelay $0x1  }
0x6d: {  	v3 =	vperm.xlane v3, v2;
	v4 =	vadd.s32 v1, v4;
	_ =	sdelay $0x1  }
0x6e: {  	v3 =	vadd.s32 v1, v3;
	_ =	sdelay $0x1  }
0x6f: {  	s20 =	simm.s32 $0x7C00  }
0x70: {  	[tilespmem:s20], [sflag:$0x1] =	stream.indirect_vreg.gather [hbm4b:s2+s3], $0x80, v4, vm0, $0xb8;
	[tilespmem:$0x19C00] =	vst v63  }
0x71: {  	s21 =	simm.s32 $0x8400  }
0x72: {  	[tilespmem:s21], [sflag:$0x1] =	stream.indirect_vreg.gather [hbm4b:s2+s3], $0x80, v3, vm0, $0xb8;
	[tilespmem:$0x19C00] =	vst v63  }
0x73: {  	v3 =	vld [tilespmem:$0x70];
	_ =	sdelay $0x4  }
0x74: {  	v55 =	vshll.u32 v3, $0x1  }
0x75: {  	v3 =	vand.u32 $0x7, v3;
	v4 =	vand.u32 $0xFFFFFFF0, v55  }
0x76: {  	v3 =	vor.u32 v3, v4  }
0x77: {  	v4 =	vperm.xlane v3, v0;
	_ =	sdelay $0x1  }
0x78: {  	v3 =	vperm.xlane v3, v2;
	v4 =	vadd.s32 v1, v4;
	_ =	sdelay $0x1  }
0x79: {  	v3 =	vadd.s32 v1, v3;
	_ =	sdelay $0x1  }
0x7a: {  	s22 =	simm.s32 $0x8C00  }
0x7b: {  	[tilespmem:s22], [sflag:$0x1] =	stream.indirect_vreg.gather [hbm4b:s2+s3], $0x80, v4, vm0, $0xb8;
	[tilespmem:$0x19C00] =	vst v63  }
0x7c: {  	_ = 	snop  }
0x7d: {  	[tilespmem:s23], [sflag:$0x1] =	stream.indirect_vreg.gather [hbm4b:s2+s3], $0x80, v3, vm0, $0xb8;
	[tilespmem:$0x19C00] =	vst v63  }
0x7e: {  	v3 =	vld [tilespmem:$0x80];
	_ =	sdelay $0x4  }
0x7f: {  	v56 =	vshll.u32 v3, $0x1  }
0x80: {  	v3 =	vand.u32 $0x7, v3;
	v4 =	vand.u32 $0xFFFFFFF0, v56  }
0x81: {  	v3 =	vor.u32 v3, v4  }
0x82: {  	v4 =	vperm.xlane v3, v0;
	_ =	sdelay $0x1  }
0x83: {  	v3 =	vperm.xlane v3, v2;
	v4 =	vadd.s32 v1, v4;
	_ =	sdelay $0x1  }
0x84: {  	v3 =	vadd.s32 v1, v3;
	_ =	sdelay $0x2  }
0x85: {  	[tilespmem:s24], [sflag:$0x2] =	stream.indirect_vreg.gather [hbm4b:s2+s3], $0x80, v4, vm0, $0xb8;
	[tilespmem:$0x19C00] =	vst v63  }
0x86: {  	_ = 	snop  }
0x87: {  	[tilespmem:s25], [sflag:$0x2] =	stream.indirect_vreg.gather [hbm4b:s2+s3], $0x80, v3, vm0, $0xb8;
	[tilespmem:$0x19C00] =	vst v63  }
0x88: {  	v3 =	vld [tilespmem:$0x90];
	_ =	sdelay $0x4  }
0x89: {  	v57 =	vshll.u32 v3, $0x1  }
0x8a: {  	v3 =	vand.u32 $0x7, v3;
	v4 =	vand.u32 $0xFFFFFFF0, v57  }
0x8b: {  	v3 =	vor.u32 v3, v4  }
0x8c: {  	v4 =	vperm.xlane v3, v0;
	_ =	sdelay $0x1  }
0x8d: {  	v3 =	vperm.xlane v3, v2;
	v4 =	vadd.s32 v1, v4;
	_ =	sdelay $0x1  }
0x8e: {  	v3 =	vadd.s32 v1, v3;
	_ =	sdelay $0x2  }
0x8f: {  	[tilespmem:s26], [sflag:$0x2] =	stream.indirect_vreg.gather [hbm4b:s2+s3], $0x80, v4, vm0, $0xb8;
	[tilespmem:$0x19C00] =	vst v63  }
0x90: {  	_ = 	snop  }
0x91: {  	[tilespmem:s28], [sflag:$0x2] =	stream.indirect_vreg.gather [hbm4b:s2+s3], $0x80, v3, vm0, $0xb8;
	[tilespmem:$0x19C00] =	vst v63  }
0x92: {  	v3 =	vld [tilespmem:$0xA0];
	_ =	sdelay $0x4  }
0x93: {  	v58 =	vshll.u32 v3, $0x1  }
0x94: {  	v3 =	vand.u32 $0x7, v3;
	v4 =	vand.u32 $0xFFFFFFF0, v58  }
0x95: {  	v3 =	vor.u32 v3, v4  }
0x96: {  	v4 =	vperm.xlane v3, v0;
	_ =	sdelay $0x1  }
0x97: {  	v3 =	vperm.xlane v3, v2;
	v4 =	vadd.s32 v1, v4;
	_ =	sdelay $0x1  }
0x98: {  	v3 =	vadd.s32 v1, v3;
	_ =	sdelay $0x2  }
0x99: {  	[tilespmem:s29], [sflag:$0x2] =	stream.indirect_vreg.gather [hbm4b:s2+s3], $0x80, v4, vm0, $0xb8;
	[tilespmem:$0x19C00] =	vst v63  }
0x9a: {  	_ = 	snop  }
0x9b: {  	[tilespmem:s30], [sflag:$0x2] =	stream.indirect_vreg.gather [hbm4b:s2+s3], $0x80, v3, vm0, $0xb8;
	[tilespmem:$0x19C00] =	vst v63  }
0x9c: {  	v3 =	vld [tilespmem:$0xB0];
	_ =	sdelay $0x4  }
0x9d: {  	v59 =	vshll.u32 v3, $0x1  }
0x9e: {  	v3 =	vand.u32 $0x7, v3;
	v4 =	vand.u32 $0xFFFFFFF0, v59  }
0x9f: {  	v3 =	vor.u32 v3, v4  }
0xa0: {  	v4 =	vperm.xlane v3, v0;
	_ =	sdelay $0x1  }
0xa1: {  	v3 =	vperm.xlane v3, v2;
	v4 =	vadd.s32 v1, v4;
	_ =	sdelay $0x1  }
0xa2: {  	v3 =	vadd.s32 v1, v3;
	_ =	sdelay $0x2  }
0xa3: {  	[tilespmem:s31], [sflag:$0x2] =	stream.indirect_vreg.gather [hbm4b:s2+s3], $0x80, v4, vm0, $0xb8;
	[tilespmem:$0x19C00] =	vst v63  }
0xa4: {  	_ = 	snop  }
0xa5: {  	[tilespmem:s0], [sflag:$0x2] =	stream.indirect_vreg.gather [hbm4b:s2+s3], $0x80, v3, vm0, $0xb8;
	[tilespmem:$0x19C00] =	vst v63  }
0xa6: {  	v3 =	vld [tilespmem:$0xC0];
	_ =	sdelay $0x4  }
0xa7: {  	v60 =	vshll.u32 v3, $0x1  }
0xa8: {  	v3 =	vand.u32 $0x7, v3;
	v4 =	vand.u32 $0xFFFFFFF0, v60  }
0xa9: {  	v3 =	vor.u32 v3, v4  }
0xaa: {  	v4 =	vperm.xlane v3, v0;
	_ =	sdelay $0x1  }
0xab: {  	v3 =	vperm.xlane v3, v2;
	v4 =	vadd.s32 v1, v4;
	_ =	sdelay $0x1  }
0xac: {  	v3 =	vadd.s32 v1, v3;
	_ =	sdelay $0x2  }
0xad: {  	[tilespmem:s1], [sflag:$0x2] =	stream.indirect_vreg.gather [hbm4b:s2+s3], $0x80, v4, vm0, $0xb8;
	[tilespmem:$0x19C00] =	vst v63  }
0xae: {  	_ = 	snop  }
0xaf: {  	[tilespmem:s4], [sflag:$0x2] =	stream.indirect_vreg.gather [hbm4b:s2+s3], $0x80, v3, vm0, $0xb8;
	[tilespmem:$0x19C00] =	vst v63  }
0xb0: {  	v3 =	vld [tilespmem:$0xD0];
	_ =	sdelay $0x4  }
0xb1: {  	v61 =	vshll.u32 v3, $0x1  }
0xb2: {  	v3 =	vand.u32 $0x7, v3;
	v4 =	vand.u32 $0xFFFFFFF0, v61  }
0xb3: {  	v3 =	vor.u32 v3, v4  }
0xb4: {  	v4 =	vperm.xlane v3, v0;
	_ =	sdelay $0x1  }
0xb5: {  	v3 =	vperm.xlane v3, v2;
	v4 =	vadd.s32 v1, v4;
	_ =	sdelay $0x1  }
0xb6: {  	v3 =	vadd.s32 v1, v3;
	_ =	sdelay $0x2  }
0xb7: {  	[tilespmem:s5], [sflag:$0x2] =	stream.indirect_vreg.gather [hbm4b:s2+s3], $0x80, v4, vm0, $0xb8;
	[tilespmem:$0x19C00] =	vst v63  }
0xb8: {  	_ = 	snop  }
0xb9: {  	[tilespmem:s6], [sflag:$0x2] =	stream.indirect_vreg.gather [hbm4b:s2+s3], $0x80, v3, vm0, $0xb8;
	[tilespmem:$0x19C00] =	vst v63  }
0xba: {  	v3 =	vld [tilespmem:$0xE0];
	_ =	sdelay $0x4  }
0xbb: {  	v62 =	vshll.u32 v3, $0x1  }
0xbc: {  	v3 =	vand.u32 $0x7, v3;
	v4 =	vand.u32 $0xFFFFFFF0, v62  }
0xbd: {  	v3 =	vor.u32 v3, v4  }
0xbe: {  	v4 =	vperm.xlane v3, v0;
	_ =	sdelay $0x1  }
0xbf: {  	v3 =	vperm.xlane v3, v2;
	v4 =	vadd.s32 v1, v4;
	_ =	sdelay $0x1  }
0xc0: {  	v3 =	vadd.s32 v1, v3;
	_ =	sdelay $0x2  }
0xc1: {  	[tilespmem:s7], [sflag:$0x2] =	stream.indirect_vreg.gather [hbm4b:s2+s3], $0x80, v4, vm0, $0xb8;
	[tilespmem:$0x19C00] =	vst v63  }
0xc2: {  	_ = 	snop  }
0xc3: {  	[tilespmem:s9], [sflag:$0x2] =	stream.indirect_vreg.gather [hbm4b:s2+s3], $0x80, v3, vm0, $0xb8;
	[tilespmem:$0x19C00] =	vst v63  }
0xc4: {  	v3 =	vld [tilespmem:$0xF0];
	_ =	sdelay $0x4  }
0xc5: {  	v63 =	vshll.u32 v3, $0x1  }
0xc6: {  	v3 =	vand.u32 $0x7, v3;
	v4 =	vand.u32 $0xFFFFFFF0, v63  }
0xc7: {  	v3 =	vor.u32 v3, v4  }
0xc8: {  	v4 =	vperm.xlane v3, v0;
	_ =	sdelay $0x1  }
0xc9: {  	v3 =	vperm.xlane v3, v2;
	v4 =	vadd.s32 v1, v4;
	_ =	sdelay $0x1  }
0xca: {  	v3 =	vadd.s32 v1, v3  }
.Ltmp2:
0xcb: {  	_ = 	snop;
	(pc) =	sbr.rel .LBB2_2-.Ltmp2, $4  }
0xcc: {  	_ = 	snop  }
0xcd: {  	[tilespmem:s10], [sflag:$0x2] =	stream.indirect_vreg.gather [hbm4b:s2+s3], $0x80, v4, vm0, $0xb8;
	[tilespmem:$0x19C00] =	vst v63  }
0xce: {  	s19 =	simm.s32 $0x170;
	s20 =	rddreg [dreg:$0x5];
	s21 =	simm.s32 $0x0  }
0xcf: {  	[tilespmem:s11], [sflag:$0x2] =	stream.indirect_vreg.gather [hbm4b:s2+s3], $0x80, v3, vm0, $0xb8;
	[tilespmem:$0x19C00] =	vst v63  }
.LBB2_9:
0xd0: {  	_ =	swait.ge [sflag:s16], $0x8000  }
0xd1: {  	[sflag:s16] =	ssyncset.done $0x0  }
0xd2: {  	[sflag:s16] =	ssyncadd.s32 $0xFFFF8000  }
0xd3: {  	[hbm4b:s20+s3] =	stream.linear.scatter [tilespmem:s24], [sflag:$0x5], $0x8000, $0x38;
	[tilespmem:$0x19C00] =	vst v63  }
.LBB2_13:
0xd4: {  	s21 =	sadd.s32 $0x1, s21  }
0xd5: {  	p0 =	sne.s32 s21, $0x32  }
.Ltmp3:
0xd6: {  	_ = 	snop;
	(pc) =	sbr.rel @!p0 .LBB2_14-.Ltmp3, $2  }
0xd7: {  	_ =	sdelay $0x2  }
0xd8: {  	s20 =	sadd.s32 $0x1000, s20;
	s19 =	sadd.s32 $0x80, s19  }
.LBB2_2:
0xd9: {  	s22 =	smul.u32 $0xAB, s21;
	_ =	sdelay $0x1  }
0xda: {  	s22 =	sshrl.u32 s22, $0x9  }
0xdb: {  	s22 =	sand.u32 $0x7F, s22  }
0xdc: {  	s22 =	smul.u32 $0x3, s22;
	_ =	sdelay $0x1  }
0xdd: {  	s22 =	ssub.s32 s21, s22  }
0xde: {  	s22 =	sand.u32 $0xFF, s22  }
0xdf: {  	p0 =	seq.s32 s22, $0x2  }
.Ltmp4:
0xe0: {  	_ = 	snop;
	(pc) =	sbr.rel @p0 .LBB2_10-.Ltmp4, $1  }
0xe1: {  	_ =	sdelay $0x3  }
0xe2: {  	p0 =	seq.s32 s22, $0x1  }
.Ltmp5:
0xe3: {  	_ = 	snop;
	(pc) =	sbr.rel @!p0 .LBB2_4-.Ltmp5, $1  }
0xe4: {  	_ =	sdelay $0x3  }
0xe5: {  	p0 =	sgt.u32 s21, $0x2F  }
.Ltmp6:
0xe6: {  	_ = 	snop;
	(pc) =	sbr.rel @p0 .LBB2_9-.Ltmp6, $1  }
0xe7: {  	_ =	sdelay $0x3  }
0xe8: {  	_ =	swait.ge [sflag:s15], $0x8000  }
0xe9: {  	[sflag:s15] =	ssyncset.done $0x0  }
0xea: {  	[sflag:s15] =	ssyncadd.s32 $0xFFFF8000  }
0xeb: {  	v3 =	vld [tilespmem:s19+$0xFFFFFF90];
	_ =	sdelay $0x4  }
0xec: {  	v4 =	vshll.u32 v3, $0x1  }
0xed: {  	v3 =	vand.u32 $0x7, v3;
	v4 =	vand.u32 $0xFFFFFFF0, v4  }
0xee: {  	v3 =	vor.u32 v3, v4  }
0xef: {  	v4 =	vperm.xlane v3, v0;
	_ =	sdelay $0x1  }
0xf0: {  	v3 =	vperm.xlane v3, v2;
	v4 =	vadd.s32 v1, v4;
	_ =	sdelay $0x1  }
0xf1: {  	v3 =	vadd.s32 v1, v3;
	_ =	sdelay $0x2  }
0xf2: {  	[tilespmem:s8], [sflag:$0x1] =	stream.indirect_vreg.gather [hbm4b:s2+s3], $0x80, v4, vm0, $0xb8;
	[tilespmem:$0x19C00] =	vst v63  }
0xf3: {  	s22 =	simm.s32 $0x2400  }
0xf4: {  	[tilespmem:s22], [sflag:$0x1] =	stream.indirect_vreg.gather [hbm4b:s2+s3], $0x80, v3, vm0, $0xb8;
	[tilespmem:$0x19C00] =	vst v63  }
0xf5: {  	v3 =	vld [tilespmem:s19+$0xFFFFFFA0];
	_ =	sdelay $0x4  }
0xf6: {  	v57 =	vshll.u32 v3, $0x1  }
0xf7: {  	v3 =	vand.u32 $0x7, v3;
	v4 =	vand.u32 $0xFFFFFFF0, v57  }
0xf8: {  	v3 =	vor.u32 v3, v4  }
0xf9: {  	v4 =	vperm.xlane v3, v0;
	_ =	sdelay $0x1  }
0xfa: {  	v3 =	vperm.xlane v3, v2;
	v4 =	vadd.s32 v1, v4;
	_ =	sdelay $0x1  }
0xfb: {  	v3 =	vadd.s32 v1, v3;
	_ =	sdelay $0x1  }
0xfc: {  	s22 =	simm.s32 $0x2C00  }
0xfd: {  	[tilespmem:s22], [sflag:$0x1] =	stream.indirect_vreg.gather [hbm4b:s2+s3], $0x80, v4, vm0, $0xb8;
	[tilespmem:$0x19C00] =	vst v63  }
0xfe: {  	s22 =	simm.s32 $0x3400  }
0xff: {  	[tilespmem:s22], [sflag:$0x1] =	stream.indirect_vreg.gather [hbm4b:s2+s3], $0x80, v3, vm0, $0xb8;
	[tilespmem:$0x19C00] =	vst v63  }
0x100: {  	v3 =	vld [tilespmem:s19+$0xFFFFFFB0];
	_ =	sdelay $0x4  }
0x101: {  	v58 =	vshll.u32 v3, $0x1  }
0x102: {  	v3 =	vand.u32 $0x7, v3;
	v4 =	vand.u32 $0xFFFFFFF0, v58  }
0x103: {  	v3 =	vor.u32 v3, v4  }
0x104: {  	v4 =	vperm.xlane v3, v0;
	_ =	sdelay $0x1  }
0x105: {  	v3 =	vperm.xlane v3, v2;
	v4 =	vadd.s32 v1, v4;
	_ =	sdelay $0x1  }
0x106: {  	v3 =	vadd.s32 v1, v3;
	_ =	sdelay $0x1  }
0x107: {  	s22 =	simm.s32 $0x3C00  }
0x108: {  	[tilespmem:s22], [sflag:$0x1] =	stream.indirect_vreg.gather [hbm4b:s2+s3], $0x80, v4, vm0, $0xb8;
	[tilespmem:$0x19C00] =	vst v63  }
0x109: {  	s22 =	simm.s32 $0x4400  }
0x10a: {  	[tilespmem:s22], [sflag:$0x1] =	stream.indirect_vreg.gather [hbm4b:s2+s3], $0x80, v3, vm0, $0xb8;
	[tilespmem:$0x19C00] =	vst v63  }
0x10b: {  	v3 =	vld [tilespmem:s19+$0xFFFFFFC0];
	_ =	sdelay $0x4  }
0x10c: {  	v59 =	vshll.u32 v3, $0x1  }
0x10d: {  	v3 =	vand.u32 $0x7, v3;
	v4 =	vand.u32 $0xFFFFFFF0, v59  }
0x10e: {  	v3 =	vor.u32 v3, v4  }
0x10f: {  	v4 =	vperm.xlane v3, v0;
	_ =	sdelay $0x1  }
0x110: {  	v3 =	vperm.xlane v3, v2;
	v4 =	vadd.s32 v1, v4;
	_ =	sdelay $0x1  }
0x111: {  	v3 =	vadd.s32 v1, v3;
	_ =	sdelay $0x1  }
0x112: {  	s22 =	simm.s32 $0x4C00  }
0x113: {  	[tilespmem:s22], [sflag:$0x1] =	stream.indirect_vreg.gather [hbm4b:s2+s3], $0x80, v4, vm0, $0xb8;
	[tilespmem:$0x19C00] =	vst v63  }
0x114: {  	s22 =	simm.s32 $0x5400  }
0x115: {  	[tilespmem:s22], [sflag:$0x1] =	stream.indirect_vreg.gather [hbm4b:s2+s3], $0x80, v3, vm0, $0xb8;
	[tilespmem:$0x19C00] =	vst v63  }
0x116: {  	v3 =	vld [tilespmem:s19+$0xFFFFFFD0];
	_ =	sdelay $0x4  }
0x117: {  	v60 =	vshll.u32 v3, $0x1  }
0x118: {  	v3 =	vand.u32 $0x7, v3;
	v4 =	vand.u32 $0xFFFFFFF0, v60  }
0x119: {  	v3 =	vor.u32 v3, v4  }
0x11a: {  	v4 =	vperm.xlane v3, v0;
	_ =	sdelay $0x1  }
0x11b: {  	v3 =	vperm.xlane v3, v2;
	v4 =	vadd.s32 v1, v4;
	_ =	sdelay $0x1  }
0x11c: {  	v3 =	vadd.s32 v1, v3;
	_ =	sdelay $0x1  }
0x11d: {  	s22 =	simm.s32 $0x5C00  }
0x11e: {  	[tilespmem:s22], [sflag:$0x1] =	stream.indirect_vreg.gather [hbm4b:s2+s3], $0x80, v4, vm0, $0xb8;
	[tilespmem:$0x19C00] =	vst v63  }
0x11f: {  	s22 =	simm.s32 $0x6400  }
0x120: {  	[tilespmem:s22], [sflag:$0x1] =	stream.indirect_vreg.gather [hbm4b:s2+s3], $0x80, v3, vm0, $0xb8;
	[tilespmem:$0x19C00] =	vst v63  }
0x121: {  	v3 =	vld [tilespmem:s19+$0xFFFFFFE0];
	_ =	sdelay $0x4  }
0x122: {  	v61 =	vshll.u32 v3, $0x1  }
0x123: {  	v3 =	vand.u32 $0x7, v3;
	v4 =	vand.u32 $0xFFFFFFF0, v61  }
0x124: {  	v3 =	vor.u32 v3, v4  }
0x125: {  	v4 =	vperm.xlane v3, v0;
	_ =	sdelay $0x1  }
0x126: {  	v3 =	vperm.xlane v3, v2;
	v4 =	vadd.s32 v1, v4;
	_ =	sdelay $0x1  }
0x127: {  	v3 =	vadd.s32 v1, v3;
	_ =	sdelay $0x1  }
0x128: {  	s22 =	simm.s32 $0x6C00  }
0x129: {  	[tilespmem:s22], [sflag:$0x1] =	stream.indirect_vreg.gather [hbm4b:s2+s3], $0x80, v4, vm0, $0xb8;
	[tilespmem:$0x19C00] =	vst v63  }
0x12a: {  	s22 =	simm.s32 $0x7400  }
0x12b: {  	[tilespmem:s22], [sflag:$0x1] =	stream.indirect_vreg.gather [hbm4b:s2+s3], $0x80, v3, vm0, $0xb8;
	[tilespmem:$0x19C00] =	vst v63  }
0x12c: {  	v3 =	vld [tilespmem:s19+$0xFFFFFFF0];
	_ =	sdelay $0x4  }
0x12d: {  	v62 =	vshll.u32 v3, $0x1  }
0x12e: {  	v3 =	vand.u32 $0x7, v3;
	v4 =	vand.u32 $0xFFFFFFF0, v62  }
0x12f: {  	v3 =	vor.u32 v3, v4  }
0x130: {  	v4 =	vperm.xlane v3, v0;
	_ =	sdelay $0x1  }
0x131: {  	v3 =	vperm.xlane v3, v2;
	v4 =	vadd.s32 v1, v4;
	_ =	sdelay $0x1  }
0x132: {  	v3 =	vadd.s32 v1, v3;
	_ =	sdelay $0x1  }
0x133: {  	s22 =	simm.s32 $0x7C00  }
0x134: {  	[tilespmem:s22], [sflag:$0x1] =	stream.indirect_vreg.gather [hbm4b:s2+s3], $0x80, v4, vm0, $0xb8;
	[tilespmem:$0x19C00] =	vst v63  }
0x135: {  	s22 =	simm.s32 $0x8400  }
0x136: {  	[tilespmem:s22], [sflag:$0x1] =	stream.indirect_vreg.gather [hbm4b:s2+s3], $0x80, v3, vm0, $0xb8;
	[tilespmem:$0x19C00] =	vst v63  }
0x137: {  	v3 =	vld [tilespmem:s19+$0x0];
	_ =	sdelay $0x4  }
0x138: {  	v63 =	vshll.u32 v3, $0x1  }
0x139: {  	v3 =	vand.u32 $0x7, v3;
	v4 =	vand.u32 $0xFFFFFFF0, v63  }
0x13a: {  	v3 =	vor.u32 v3, v4  }
0x13b: {  	v4 =	vperm.xlane v3, v0;
	_ =	sdelay $0x1  }
0x13c: {  	v3 =	vperm.xlane v3, v2;
	v4 =	vadd.s32 v1, v4;
	_ =	sdelay $0x1  }
0x13d: {  	v3 =	vadd.s32 v1, v3  }
.Ltmp7:
0x13e: {  	_ = 	snop;
	(pc) =	sbr.rel .LBB2_9-.Ltmp7, $4  }
0x13f: {  	s22 =	simm.s32 $0x8C00  }
0x140: {  	[tilespmem:s22], [sflag:$0x1] =	stream.indirect_vreg.gather [hbm4b:s2+s3], $0x80, v4, vm0, $0xb8;
	[tilespmem:$0x19C00] =	vst v63  }
0x141: {  	_ = 	snop  }
0x142: {  	[tilespmem:s23], [sflag:$0x1] =	stream.indirect_vreg.gather [hbm4b:s2+s3], $0x80, v3, vm0, $0xb8;
	[tilespmem:$0x19C00] =	vst v63  }
.LBB2_10:
0x143: {  	p0 =	sgt.u32 s21, $0x2F  }
.Ltmp8:
0x144: {  	_ = 	snop;
	(pc) =	sbr.rel @p0 .LBB2_12-.Ltmp8, $1  }
0x145: {  	_ =	sdelay $0x3  }
0x146: {  	_ =	swait.ge [sflag:s12], $0x8000  }
0x147: {  	[sflag:s12] =	ssyncset.done $0x0  }
0x148: {  	[sflag:s12] =	ssyncadd.s32 $0xFFFF8000  }
0x149: {  	v3 =	vld [tilespmem:s19+$0xFFFFFF90];
	_ =	sdelay $0x4  }
0x14a: {  	v4 =	vshll.u32 v3, $0x1  }
0x14b: {  	v3 =	vand.u32 $0x7, v3;
	v4 =	vand.u32 $0xFFFFFFF0, v4  }
0x14c: {  	v3 =	vor.u32 v3, v4  }
0x14d: {  	v4 =	vperm.xlane v3, v0;
	_ =	sdelay $0x1  }
0x14e: {  	v3 =	vperm.xlane v3, v2;
	v4 =	vadd.s32 v1, v4;
	_ =	sdelay $0x1  }
0x14f: {  	v3 =	vadd.s32 v1, v3;
	_ =	sdelay $0x2  }
0x150: {  	[tilespmem:s24], [sflag:$0x2] =	stream.indirect_vreg.gather [hbm4b:s2+s3], $0x80, v4, vm0, $0xb8;
	[tilespmem:$0x19C00] =	vst v63  }
0x151: {  	_ = 	snop  }
0x152: {  	[tilespmem:s25], [sflag:$0x2] =	stream.indirect_vreg.gather [hbm4b:s2+s3], $0x80, v3, vm0, $0xb8;
	[tilespmem:$0x19C00] =	vst v63  }
0x153: {  	v3 =	vld [tilespmem:s19+$0xFFFFFFA0];
	_ =	sdelay $0x4  }
0x154: {  	v57 =	vshll.u32 v3, $0x1  }
0x155: {  	v3 =	vand.u32 $0x7, v3;
	v4 =	vand.u32 $0xFFFFFFF0, v57  }
0x156: {  	v3 =	vor.u32 v3, v4  }
0x157: {  	v4 =	vperm.xlane v3, v0;
	_ =	sdelay $0x1  }
0x158: {  	v3 =	vperm.xlane v3, v2;
	v4 =	vadd.s32 v1, v4;
	_ =	sdelay $0x1  }
0x159: {  	v3 =	vadd.s32 v1, v3;
	_ =	sdelay $0x2  }
0x15a: {  	[tilespmem:s26], [sflag:$0x2] =	stream.indirect_vreg.gather [hbm4b:s2+s3], $0x80, v4, vm0, $0xb8;
	[tilespmem:$0x19C00] =	vst v63  }
0x15b: {  	_ = 	snop  }
0x15c: {  	[tilespmem:s28], [sflag:$0x2] =	stream.indirect_vreg.gather [hbm4b:s2+s3], $0x80, v3, vm0, $0xb8;
	[tilespmem:$0x19C00] =	vst v63  }
0x15d: {  	v3 =	vld [tilespmem:s19+$0xFFFFFFB0];
	_ =	sdelay $0x4  }
0x15e: {  	v58 =	vshll.u32 v3, $0x1  }
0x15f: {  	v3 =	vand.u32 $0x7, v3;
	v4 =	vand.u32 $0xFFFFFFF0, v58  }
0x160: {  	v3 =	vor.u32 v3, v4  }
0x161: {  	v4 =	vperm.xlane v3, v0;
	_ =	sdelay $0x1  }
0x162: {  	v3 =	vperm.xlane v3, v2;
	v4 =	vadd.s32 v1, v4;
	_ =	sdelay $0x1  }
0x163: {  	v3 =	vadd.s32 v1, v3;
	_ =	sdelay $0x2  }
0x164: {  	[tilespmem:s29], [sflag:$0x2] =	stream.indirect_vreg.gather [hbm4b:s2+s3], $0x80, v4, vm0, $0xb8;
	[tilespmem:$0x19C00] =	vst v63  }
0x165: {  	_ = 	snop  }
0x166: {  	[tilespmem:s30], [sflag:$0x2] =	stream.indirect_vreg.gather [hbm4b:s2+s3], $0x80, v3, vm0, $0xb8;
	[tilespmem:$0x19C00] =	vst v63  }
0x167: {  	v3 =	vld [tilespmem:s19+$0xFFFFFFC0];
	_ =	sdelay $0x4  }
0x168: {  	v59 =	vshll.u32 v3, $0x1  }
0x169: {  	v3 =	vand.u32 $0x7, v3;
	v4 =	vand.u32 $0xFFFFFFF0, v59  }
0x16a: {  	v3 =	vor.u32 v3, v4  }
0x16b: {  	v4 =	vperm.xlane v3, v0;
	_ =	sdelay $0x1  }
0x16c: {  	v3 =	vperm.xlane v3, v2;
	v4 =	vadd.s32 v1, v4;
	_ =	sdelay $0x1  }
0x16d: {  	v3 =	vadd.s32 v1, v3;
	_ =	sdelay $0x2  }
0x16e: {  	[tilespmem:s31], [sflag:$0x2] =	stream.indirect_vreg.gather [hbm4b:s2+s3], $0x80, v4, vm0, $0xb8;
	[tilespmem:$0x19C00] =	vst v63  }
0x16f: {  	_ = 	snop  }
0x170: {  	[tilespmem:s0], [sflag:$0x2] =	stream.indirect_vreg.gather [hbm4b:s2+s3], $0x80, v3, vm0, $0xb8;
	[tilespmem:$0x19C00] =	vst v63  }
0x171: {  	v3 =	vld [tilespmem:s19+$0xFFFFFFD0];
	_ =	sdelay $0x4  }
0x172: {  	v60 =	vshll.u32 v3, $0x1  }
0x173: {  	v3 =	vand.u32 $0x7, v3;
	v4 =	vand.u32 $0xFFFFFFF0, v60  }
0x174: {  	v3 =	vor.u32 v3, v4  }
0x175: {  	v4 =	vperm.xlane v3, v0;
	_ =	sdelay $0x1  }
0x176: {  	v3 =	vperm.xlane v3, v2;
	v4 =	vadd.s32 v1, v4;
	_ =	sdelay $0x1  }
0x177: {  	v3 =	vadd.s32 v1, v3;
	_ =	sdelay $0x2  }
0x178: {  	[tilespmem:s1], [sflag:$0x2] =	stream.indirect_vreg.gather [hbm4b:s2+s3], $0x80, v4, vm0, $0xb8;
	[tilespmem:$0x19C00] =	vst v63  }
0x179: {  	_ = 	snop  }
0x17a: {  	[tilespmem:s4], [sflag:$0x2] =	stream.indirect_vreg.gather [hbm4b:s2+s3], $0x80, v3, vm0, $0xb8;
	[tilespmem:$0x19C00] =	vst v63  }
0x17b: {  	v3 =	vld [tilespmem:s19+$0xFFFFFFE0];
	_ =	sdelay $0x4  }
0x17c: {  	v61 =	vshll.u32 v3, $0x1  }
0x17d: {  	v3 =	vand.u32 $0x7, v3;
	v4 =	vand.u32 $0xFFFFFFF0, v61  }
0x17e: {  	v3 =	vor.u32 v3, v4  }
0x17f: {  	v4 =	vperm.xlane v3, v0;
	_ =	sdelay $0x1  }
0x180: {  	v3 =	vperm.xlane v3, v2;
	v4 =	vadd.s32 v1, v4;
	_ =	sdelay $0x1  }
0x181: {  	v3 =	vadd.s32 v1, v3;
	_ =	sdelay $0x2  }
0x182: {  	[tilespmem:s5], [sflag:$0x2] =	stream.indirect_vreg.gather [hbm4b:s2+s3], $0x80, v4, vm0, $0xb8;
	[tilespmem:$0x19C00] =	vst v63  }
0x183: {  	_ = 	snop  }
0x184: {  	[tilespmem:s6], [sflag:$0x2] =	stream.indirect_vreg.gather [hbm4b:s2+s3], $0x80, v3, vm0, $0xb8;
	[tilespmem:$0x19C00] =	vst v63  }
0x185: {  	v3 =	vld [tilespmem:s19+$0xFFFFFFF0];
	_ =	sdelay $0x4  }
0x186: {  	v62 =	vshll.u32 v3, $0x1  }
0x187: {  	v3 =	vand.u32 $0x7, v3;
	v4 =	vand.u32 $0xFFFFFFF0, v62  }
0x188: {  	v3 =	vor.u32 v3, v4  }
0x189: {  	v4 =	vperm.xlane v3, v0;
	_ =	sdelay $0x1  }
0x18a: {  	v3 =	vperm.xlane v3, v2;
	v4 =	vadd.s32 v1, v4;
	_ =	sdelay $0x1  }
0x18b: {  	v3 =	vadd.s32 v1, v3;
	_ =	sdelay $0x2  }
0x18c: {  	[tilespmem:s7], [sflag:$0x2] =	stream.indirect_vreg.gather [hbm4b:s2+s3], $0x80, v4, vm0, $0xb8;
	[tilespmem:$0x19C00] =	vst v63  }
0x18d: {  	_ = 	snop  }
0x18e: {  	[tilespmem:s9], [sflag:$0x2] =	stream.indirect_vreg.gather [hbm4b:s2+s3], $0x80, v3, vm0, $0xb8;
	[tilespmem:$0x19C00] =	vst v63  }
0x18f: {  	v3 =	vld [tilespmem:s19+$0x0];
	_ =	sdelay $0x4  }
0x190: {  	v63 =	vshll.u32 v3, $0x1  }
0x191: {  	v3 =	vand.u32 $0x7, v3;
	v4 =	vand.u32 $0xFFFFFFF0, v63  }
0x192: {  	v3 =	vor.u32 v3, v4  }
0x193: {  	v4 =	vperm.xlane v3, v0;
	_ =	sdelay $0x1  }
0x194: {  	v3 =	vperm.xlane v3, v2;
	v4 =	vadd.s32 v1, v4;
	_ =	sdelay $0x1  }
0x195: {  	v3 =	vadd.s32 v1, v3;
	_ =	sdelay $0x2  }
0x196: {  	[tilespmem:s10], [sflag:$0x2] =	stream.indirect_vreg.gather [hbm4b:s2+s3], $0x80, v4, vm0, $0xb8;
	[tilespmem:$0x19C00] =	vst v63  }
0x197: {  	_ = 	snop  }
0x198: {  	[tilespmem:s11], [sflag:$0x2] =	stream.indirect_vreg.gather [hbm4b:s2+s3], $0x80, v3, vm0, $0xb8;
	[tilespmem:$0x19C00] =	vst v63  }
.LBB2_12:
.Ltmp9:
0x199: {  	(pc) =	sbr.rel .LBB2_13-.Ltmp9, $4  }
0x19a: {  	_ =	swait.ge [sflag:s13], $0x8000  }
0x19b: {  	[sflag:s13] =	ssyncset.done $0x0  }
0x19c: {  	[sflag:s13] =	ssyncadd.s32 $0xFFFF8000  }
0x19d: {  	[hbm4b:s20+s3] =	stream.linear.scatter [tilespmem:s14], [sflag:$0x6], $0x8000, $0x38;
	[tilespmem:$0x19C00] =	vst v63  }
.LBB2_4:
0x19e: {  	p0 =	sgt.u32 s21, $0x2F  }
.Ltmp10:
0x19f: {  	_ = 	snop;
	(pc) =	sbr.rel @p0 .LBB2_6-.Ltmp10, $1  }
0x1a0: {  	_ =	sdelay $0x3  }
0x1a1: {  	p0 =	seq.s32 s21, $0x0  }
0x1a2: {  	s22 =	simm.s32 @!p0 $0x6  }
0x1a3: {  	_ =	swait.ge @!p0 [sflag:s22], $0x8000  }
0x1a4: {  	[sflag:s22] =	ssyncset.done @!p0 $0x0  }
0x1a5: {  	[sflag:s22] =	ssyncadd.s32 @!p0 $0xFFFF8000  }
0x1a6: {  	v3 =	vld [tilespmem:s19+$0xFFFFFF90];
	_ =	sdelay $0x4  }
0x1a7: {  	v4 =	vshll.u32 v3, $0x1  }
0x1a8: {  	v3 =	vand.u32 $0x7, v3;
	v4 =	vand.u32 $0xFFFFFFF0, v4  }
0x1a9: {  	v3 =	vor.u32 v3, v4  }
0x1aa: {  	v4 =	vperm.xlane v3, v0;
	_ =	sdelay $0x1  }
0x1ab: {  	v3 =	vperm.xlane v3, v2;
	v4 =	vadd.s32 v1, v4;
	_ =	sdelay $0x1  }
0x1ac: {  	v3 =	vadd.s32 v1, v3;
	_ =	sdelay $0x2  }
0x1ad: {  	[tilespmem:s14], [sflag:$0x3] =	stream.indirect_vreg.gather [hbm4b:s2+s3], $0x80, v4, vm0, $0xb8;
	[tilespmem:$0x19C00] =	vst v63  }
0x1ae: {  	s22 =	simm.s32 $0x12400  }
0x1af: {  	[tilespmem:s22], [sflag:$0x3] =	stream.indirect_vreg.gather [hbm4b:s2+s3], $0x80, v3, vm0, $0xb8;
	[tilespmem:$0x19C00] =	vst v63  }
0x1b0: {  	v3 =	vld [tilespmem:s19+$0xFFFFFFA0];
	_ =	sdelay $0x4  }
0x1b1: {  	v57 =	vshll.u32 v3, $0x1  }
0x1b2: {  	v3 =	vand.u32 $0x7, v3;
	v4 =	vand.u32 $0xFFFFFFF0, v57  }
0x1b3: {  	v3 =	vor.u32 v3, v4  }
0x1b4: {  	v4 =	vperm.xlane v3, v0;
	_ =	sdelay $0x1  }
0x1b5: {  	v3 =	vperm.xlane v3, v2;
	v4 =	vadd.s32 v1, v4;
	_ =	sdelay $0x1  }
0x1b6: {  	v3 =	vadd.s32 v1, v3;
	_ =	sdelay $0x1  }
0x1b7: {  	s22 =	simm.s32 $0x12C00  }
0x1b8: {  	[tilespmem:s22], [sflag:$0x3] =	stream.indirect_vreg.gather [hbm4b:s2+s3], $0x80, v4, vm0, $0xb8;
	[tilespmem:$0x19C00] =	vst v63  }
0x1b9: {  	s22 =	simm.s32 $0x13400  }
0x1ba: {  	[tilespmem:s22], [sflag:$0x3] =	stream.indirect_vreg.gather [hbm4b:s2+s3], $0x80, v3, vm0, $0xb8;
	[tilespmem:$0x19C00] =	vst v63  }
0x1bb: {  	v3 =	vld [tilespmem:s19+$0xFFFFFFB0];
	_ =	sdelay $0x4  }
0x1bc: {  	v58 =	vshll.u32 v3, $0x1  }
0x1bd: {  	v3 =	vand.u32 $0x7, v3;
	v4 =	vand.u32 $0xFFFFFFF0, v58  }
0x1be: {  	v3 =	vor.u32 v3, v4  }
0x1bf: {  	v4 =	vperm.xlane v3, v0;
	_ =	sdelay $0x1  }
0x1c0: {  	v3 =	vperm.xlane v3, v2;
	v4 =	vadd.s32 v1, v4;
	_ =	sdelay $0x1  }
0x1c1: {  	v3 =	vadd.s32 v1, v3;
	_ =	sdelay $0x1  }
0x1c2: {  	s22 =	simm.s32 $0x13C00  }
0x1c3: {  	[tilespmem:s22], [sflag:$0x3] =	stream.indirect_vreg.gather [hbm4b:s2+s3], $0x80, v4, vm0, $0xb8;
	[tilespmem:$0x19C00] =	vst v63  }
0x1c4: {  	s22 =	simm.s32 $0x14400  }
0x1c5: {  	[tilespmem:s22], [sflag:$0x3] =	stream.indirect_vreg.gather [hbm4b:s2+s3], $0x80, v3, vm0, $0xb8;
	[tilespmem:$0x19C00] =	vst v63  }
0x1c6: {  	v3 =	vld [tilespmem:s19+$0xFFFFFFC0];
	_ =	sdelay $0x4  }
0x1c7: {  	v59 =	vshll.u32 v3, $0x1  }
0x1c8: {  	v3 =	vand.u32 $0x7, v3;
	v4 =	vand.u32 $0xFFFFFFF0, v59  }
0x1c9: {  	v3 =	vor.u32 v3, v4  }
0x1ca: {  	v4 =	vperm.xlane v3, v0;
	_ =	sdelay $0x1  }
0x1cb: {  	v3 =	vperm.xlane v3, v2;
	v4 =	vadd.s32 v1, v4;
	_ =	sdelay $0x1  }
0x1cc: {  	v3 =	vadd.s32 v1, v3;
	_ =	sdelay $0x1  }
0x1cd: {  	s22 =	simm.s32 $0x14C00  }
0x1ce: {  	[tilespmem:s22], [sflag:$0x3] =	stream.indirect_vreg.gather [hbm4b:s2+s3], $0x80, v4, vm0, $0xb8;
	[tilespmem:$0x19C00] =	vst v63  }
0x1cf: {  	s22 =	simm.s32 $0x15400  }
0x1d0: {  	[tilespmem:s22], [sflag:$0x3] =	stream.indirect_vreg.gather [hbm4b:s2+s3], $0x80, v3, vm0, $0xb8;
	[tilespmem:$0x19C00] =	vst v63  }
0x1d1: {  	v3 =	vld [tilespmem:s19+$0xFFFFFFD0];
	_ =	sdelay $0x4  }
0x1d2: {  	v60 =	vshll.u32 v3, $0x1  }
0x1d3: {  	v3 =	vand.u32 $0x7, v3;
	v4 =	vand.u32 $0xFFFFFFF0, v60  }
0x1d4: {  	v3 =	vor.u32 v3, v4  }
0x1d5: {  	v4 =	vperm.xlane v3, v0;
	_ =	sdelay $0x1  }
0x1d6: {  	v3 =	vperm.xlane v3, v2;
	v4 =	vadd.s32 v1, v4;
	_ =	sdelay $0x1  }
0x1d7: {  	v3 =	vadd.s32 v1, v3;
	_ =	sdelay $0x1  }
0x1d8: {  	s22 =	simm.s32 $0x15C00  }
0x1d9: {  	[tilespmem:s22], [sflag:$0x3] =	stream.indirect_vreg.gather [hbm4b:s2+s3], $0x80, v4, vm0, $0xb8;
	[tilespmem:$0x19C00] =	vst v63  }
0x1da: {  	s22 =	simm.s32 $0x16400  }
0x1db: {  	[tilespmem:s22], [sflag:$0x3] =	stream.indirect_vreg.gather [hbm4b:s2+s3], $0x80, v3, vm0, $0xb8;
	[tilespmem:$0x19C00] =	vst v63  }
0x1dc: {  	v3 =	vld [tilespmem:s19+$0xFFFFFFE0];
	_ =	sdelay $0x4  }
0x1dd: {  	v61 =	vshll.u32 v3, $0x1  }
0x1de: {  	v3 =	vand.u32 $0x7, v3;
	v4 =	vand.u32 $0xFFFFFFF0, v61  }
0x1df: {  	v3 =	vor.u32 v3, v4  }
0x1e0: {  	v4 =	vperm.xlane v3, v0;
	_ =	sdelay $0x1  }
0x1e1: {  	v3 =	vperm.xlane v3, v2;
	v4 =	vadd.s32 v1, v4;
	_ =	sdelay $0x1  }
0x1e2: {  	v3 =	vadd.s32 v1, v3;
	_ =	sdelay $0x1  }
0x1e3: {  	s22 =	simm.s32 $0x16C00  }
0x1e4: {  	[tilespmem:s22], [sflag:$0x3] =	stream.indirect_vreg.gather [hbm4b:s2+s3], $0x80, v4, vm0, $0xb8;
	[tilespmem:$0x19C00] =	vst v63  }
0x1e5: {  	s22 =	simm.s32 $0x17400  }
0x1e6: {  	[tilespmem:s22], [sflag:$0x3] =	stream.indirect_vreg.gather [hbm4b:s2+s3], $0x80, v3, vm0, $0xb8;
	[tilespmem:$0x19C00] =	vst v63  }
0x1e7: {  	v3 =	vld [tilespmem:s19+$0xFFFFFFF0];
	_ =	sdelay $0x4  }
0x1e8: {  	v62 =	vshll.u32 v3, $0x1  }
0x1e9: {  	v3 =	vand.u32 $0x7, v3;
	v4 =	vand.u32 $0xFFFFFFF0, v62  }
0x1ea: {  	v3 =	vor.u32 v3, v4  }
0x1eb: {  	v4 =	vperm.xlane v3, v0;
	_ =	sdelay $0x1  }
0x1ec: {  	v3 =	vperm.xlane v3, v2;
	v4 =	vadd.s32 v1, v4;
	_ =	sdelay $0x1  }
0x1ed: {  	v3 =	vadd.s32 v1, v3;
	_ =	sdelay $0x1  }
0x1ee: {  	s22 =	simm.s32 $0x17C00  }
0x1ef: {  	[tilespmem:s22], [sflag:$0x3] =	stream.indirect_vreg.gather [hbm4b:s2+s3], $0x80, v4, vm0, $0xb8;
	[tilespmem:$0x19C00] =	vst v63  }
0x1f0: {  	s22 =	simm.s32 $0x18400  }
0x1f1: {  	[tilespmem:s22], [sflag:$0x3] =	stream.indirect_vreg.gather [hbm4b:s2+s3], $0x80, v3, vm0, $0xb8;
	[tilespmem:$0x19C00] =	vst v63  }
0x1f2: {  	v3 =	vld [tilespmem:s19+$0x0];
	_ =	sdelay $0x4  }
0x1f3: {  	v63 =	vshll.u32 v3, $0x1  }
0x1f4: {  	v3 =	vand.u32 $0x7, v3;
	v4 =	vand.u32 $0xFFFFFFF0, v63  }
0x1f5: {  	v3 =	vor.u32 v3, v4  }
0x1f6: {  	v4 =	vperm.xlane v3, v0;
	_ =	sdelay $0x1  }
0x1f7: {  	v3 =	vperm.xlane v3, v2;
	v4 =	vadd.s32 v1, v4;
	_ =	sdelay $0x1  }
0x1f8: {  	v3 =	vadd.s32 v1, v3;
	_ =	sdelay $0x1  }
0x1f9: {  	s22 =	simm.s32 $0x18C00  }
0x1fa: {  	[tilespmem:s22], [sflag:$0x3] =	stream.indirect_vreg.gather [hbm4b:s2+s3], $0x80, v4, vm0, $0xb8;
	[tilespmem:$0x19C00] =	vst v63  }
0x1fb: {  	s22 =	simm.s32 $0x19400  }
0x1fc: {  	[tilespmem:s22], [sflag:$0x3] =	stream.indirect_vreg.gather [hbm4b:s2+s3], $0x80, v3, vm0, $0xb8;
	[tilespmem:$0x19C00] =	vst v63  }
.LBB2_6:
.Ltmp11:
0x1fd: {  	(pc) =	sbr.rel .LBB2_13-.Ltmp11, $4  }
0x1fe: {  	_ =	swait.ge [sflag:s17], $0x8000  }
0x1ff: {  	[sflag:s17] =	ssyncset.done $0x0  }
0x200: {  	[sflag:s17] =	ssyncadd.s32 $0xFFFF8000  }
0x201: {  	[hbm4b:s20+s3] =	stream.linear.scatter [tilespmem:s8], [sflag:$0x4], $0x8000, $0x38;
	[tilespmem:$0x19C00] =	vst v63  }
.LBB2_15:
0x202: {  	_ =	sfence.sel $0x180000  }
0x203: {  	[bflag:$0x0] =	sbarrier.arrive $0xFFFF  }
0x204: {  	_ =	strace $0x90000047  }
0x205: {  	s0 =	stileid.u32;
	[bflag:$0x2] =	sbarrier.arrive $0xFFFF  }
0x206: {  	p0 =	sne.s32 s0, $0x0;
	s0 =	rddreg [dreg:$0x2]  }
0x207: {  	s0 =	sadd.s32 @!p0 $0x100000, s0  }
0x208: {  	[sflag:s0] =	ssyncadd.tile.s32 @!p0 $0x1;
	_ =	shalt  }
.Lfunc_end2:
_tile_overlayer_lowered:
.L_overlay_start_2:
0x209: {  	(tag) =	ssettag $0x2  }
0x20a: {  	s0 =	rddreg [dreg:$0x0];
	s2 =	stileid.u32  }
0x20b: {  	s1 =	rddreg [dreg:$0x1];
	p0 =	sne.s32 s2, $0x0  }
0x20c: {  	s3 =	rddreg [dreg:$0x2];
	[bflag:$0x3] =	sbarrier.arrive $0xFFFF;
	s2 =	simm.s32 @!p0 $0x1C07  }
0x20d: {  	[timem:s3], [sflag:s2] =	dma.local @!p0 [hbm:s0], s1  }
0x20e: {  	s0 =	simm.s32 @!p0 $0x7  }
0x20f: {  	_ =	swait.ge @!p0 [sflag:s0], s1  }
0x210: {  	s1 =	ssub.s32 @!p0 $0x0, s1;
	[sflag:s0] =	ssyncset.done @!p0 $0x0  }
0x211: {  	[sflag:s0] =	ssyncadd.s32 @!p0 s1  }
0x212: {  	[bflag:$0x3] =	sbarrier.arrive $0xFFFF  }
0x213: {  	_ =	shalt  }

</sc_bundles>
